<compile_context>
chip_gen: v7x
topology: tpu7x:2x2x1
jax: 0.10.2.dev20260603
libtpu: 0.0.44.dev20260713+nightly
codegen_flags: <defaults>
</compile_context>

<pallas_src>
import functools

import jax
import jax.numpy as jnp
from jax import lax
from jax.experimental import pallas as pl
from jax.experimental.pallas import tpu as pltpu
from jax.experimental.pallas import tpu_sc as plsc

M = 1_000_000
D = 32
N = 819_200

NC = 2
NS = 16
NW = NC * NS
L = 16

PPW = N // NW
NVR = PPW // L
NB = 32
BIN_SHIFT = 15
BIN_ROWS = 1 << BIN_SHIFT
CAP = PPW + NB * 8
C = 128
ACC_ROWS = BIN_ROWS + L
ZR = ACC_ROWS // NS
TROWS = BIN_ROWS // NS
ZB = ZR // 3
BPAD = NW * CAP + C

_mesh = plsc.VectorSubcoreMesh(
    core_axis_name="c", subcore_axis_name="s", num_cores=NC, num_subcores=NS
)


@functools.partial(
    pl.kernel,
    out_type=(
        jax.ShapeDtypeStruct((BPAD,), jnp.int32),
        jax.ShapeDtypeStruct((BPAD,), jnp.int32),
        jax.ShapeDtypeStruct((NW * NB,), jnp.int32),
        jax.ShapeDtypeStruct((NW * NB,), jnp.int32),
    ),
    mesh=_mesh,
    compiler_params=pltpu.CompilerParams(needs_layout_passes=False),
    scratch_types=[
        pltpu.VMEM((PPW,), jnp.int32),
        pltpu.VMEM((PPW,), jnp.int32),
        pltpu.VMEM((CAP,), jnp.int32),
        pltpu.VMEM((CAP,), jnp.int32),
        pltpu.VMEM((NB,), jnp.int32),
        pltpu.VMEM((NB,), jnp.int32),
        pltpu.VMEM((NB,), jnp.int32),
    ],
)
def _bin_phase(pos_hbm, bpos_hbm, bid_hbm, cnt_hbm, off_hbm,
               pos_v, bins_v, spos_v, sid_v, hist_v, offs_v, wptr_v):
    c = lax.axis_index("c")
    s = lax.axis_index("s")
    w = s * NC + c
    base = pl.multiple_of(w * PPW, 8)
    pltpu.sync_copy(pos_hbm.at[pl.ds(base, PPW)], pos_v)

    zero16 = jnp.zeros((L,), jnp.int32)
    hist_v[pl.ds(0, L)] = zero16
    hist_v[pl.ds(L, L)] = zero16

    @pl.loop(0, NVR)
    def _hist(i):
        p = pos_v[pl.ds(i * L, L)]
        b = lax.shift_right_logical(p, BIN_SHIFT)
        bins_v[pl.ds(i * L, L)] = b
        cnt, last = plsc.scan_count(b)
        cur = plsc.load_gather(hist_v, [b])
        plsc.store_scatter(hist_v, [b], cur + cnt, mask=last)

    h0 = hist_v[pl.ds(0, L)]
    h1 = hist_v[pl.ds(L, L)]
    a0 = jnp.bitwise_and(h0 + 7, jnp.int32(-8))
    a1 = jnp.bitwise_and(h1 + 7, jnp.int32(-8))
    c0 = plsc.cumsum(a0)
    c1 = plsc.cumsum(a1)
    sum0 = jnp.sum(a0)
    off0 = c0 - a0
    off1 = c1 - a1 + sum0
    offs_v[pl.ds(0, L)] = off0
    offs_v[pl.ds(L, L)] = off1
    wptr_v[pl.ds(0, L)] = off0
    wptr_v[pl.ds(L, L)] = off1

    li = lax.iota(jnp.int32, L)

    @pl.loop(0, NVR)
    def _append(i):
        b = bins_v[pl.ds(i * L, L)]
        cnt, last = plsc.scan_count(b)
        seg = plsc.load_gather(wptr_v, [b])
        addr = seg + cnt - 1
        p = pos_v[pl.ds(i * L, L)]
        ids = base + i * L + li
        plsc.store_scatter(spos_v, [addr], p)
        plsc.store_scatter(sid_v, [addr], ids)
        plsc.store_scatter(wptr_v, [b], seg + cnt, mask=last)

    wcap = pl.multiple_of(w * CAP, 8)
    pltpu.sync_copy(spos_v, bpos_hbm.at[pl.ds(wcap, CAP)])
    pltpu.sync_copy(sid_v, bid_hbm.at[pl.ds(wcap, CAP)])
    pltpu.sync_copy(hist_v, cnt_hbm.at[pl.ds(pl.multiple_of(w * NB, 8), NB)])
    pltpu.sync_copy(offs_v, off_hbm.at[pl.ds(pl.multiple_of(w * NB, 8), NB)])


def _scal(ref, idx):
    lane = jnp.bitwise_and(idx, L - 1)
    v = ref[pl.ds(pl.multiple_of(idx - lane, L), L)]
    li = lax.iota(jnp.int32, L)
    return jnp.sum(jnp.where(li == lane, v, 0))


@functools.partial(
    pl.kernel,
    out_type=jax.ShapeDtypeStruct((M, D), jnp.float32),
    mesh=_mesh,
    compiler_params=pltpu.CompilerParams(
        needs_layout_passes=False, use_tc_tiling_on_sc=False),
    scratch_types=[
        pltpu.VMEM((C,), jnp.int32),
        pltpu.VMEM((C,), jnp.int32),
        pltpu.VMEM((C,), jnp.int32),
        pltpu.VMEM((C, D), jnp.float32),
        pltpu.VMEM((NW * NB,), jnp.int32),
        pltpu.VMEM((NW * NB,), jnp.int32),
        pltpu.VMEM((ZB, D), jnp.float32),
        pltpu.VMEM_SHARED((ACC_ROWS, D), jnp.float32),
        pltpu.SemaphoreType.DMA,
    ],
)
def _acc_phase(bpos_hbm, bid_hbm, cnt_hbm, off_hbm, values_hbm, out_hbm,
               pos_st, id_st, idx_st, rows, meta_c, meta_o, zbuf, acc, sem):
    c = lax.axis_index("c")
    s = lax.axis_index("s")
    li = lax.iota(jnp.int32, L)
    zf = jnp.zeros((L,), jnp.float32)

    pltpu.sync_copy(cnt_hbm, meta_c)
    pltpu.sync_copy(off_hbm, meta_o)

    @pl.loop(0, ZB)
    def _zb(i):
        zbuf[i, pl.ds(0, L)] = zf
        zbuf[i, pl.ds(L, L)] = zf

    @pl.loop(0, NB // NC)
    def _pass(p):
        b = NC * p + c

        for zi in range(3):
            pltpu.sync_copy(zbuf, acc.at[pl.ds(s * ZR + zi * ZB, ZB)])
        plsc.subcore_barrier()

        for wi in range(2):
            w = 2 * s + wi
            mi = w * NB + b
            cnt = _scal(meta_c, mi)
            off = _scal(meta_o, mi)
            src0 = pl.multiple_of(w * CAP + off, 8)
            nch = lax.shift_right_logical(cnt + (C - 1), 7)

            @pl.loop(0, nch)
            def _chunk(k):
                src = pl.multiple_of(src0 + k * C, 8)
                pltpu.sync_copy(bpos_hbm.at[pl.ds(src, C)], pos_st)
                pltpu.sync_copy(bid_hbm.at[pl.ds(src, C)], id_st)
                rem = cnt - k * C
                for j in range(C // L):
                    pv = pos_st[pl.ds(j * L, L)]
                    iv = id_st[pl.ds(j * L, L)]
                    valid = (j * L + li) < rem
                    row = jnp.where(valid, jnp.bitwise_and(pv, BIN_ROWS - 1),
                                    BIN_ROWS + li)
                    sid = jnp.where(valid, iv, 0)
                    idx_st[pl.ds(j * L, L)] = row
                    id_st[pl.ds(j * L, L)] = sid
                pltpu.async_copy(values_hbm.at[id_st], rows, sem).wait()
                pltpu.sync_copy(rows, acc.at[idx_st], add=True)

        plsc.subcore_barrier()

        start = pl.multiple_of(b * BIN_ROWS + s * TROWS, 64)

        @pl.when(start + TROWS <= M)
        def _full():
            pltpu.sync_copy(acc.at[pl.ds(s * TROWS, TROWS)],
                            out_hbm.at[pl.ds(start, TROWS)])

        @pl.when(jnp.logical_and(start < M, start + TROWS > M))
        def _tail():
            nt = (M - start) // 64

            @pl.loop(0, nt)
            def _t(r):
                pltpu.sync_copy(acc.at[pl.ds(s * TROWS + r * 64, 64)],
                                out_hbm.at[pl.ds(start + r * 64, 64)])

        plsc.subcore_barrier()


def kernel(lattice_py, positions, values):
    del lattice_py
    bpos, bid, cnts, offs = _bin_phase(positions)
    return _acc_phase(bpos, bid, cnts, offs, values)

# --- scband reference (transcript-rebuilt; emitter-appended) ---
"""Pipeline reference for scband-splat-lattice-module-25400436588637 (READ-ONLY COPY).

The authoritative reference and input builder live on the scoring server;
editing this copy changes nothing except your own understanding.
"""

import jax, jax.numpy as jnp
import numpy as np

M = 1000000
D = 32
N = 819200

def setup_inputs(seed: int = 0) -> dict:
    key = jax.random.key(seed)
    k1, k2 = jax.random.split(key, 2)
    lattice_py = jnp.zeros((M, D), dtype=jnp.float32)
    positions = jax.random.randint(k1, (N,), 0, M, dtype=jnp.int32)
    values = jax.random.normal(k2, (N, D), dtype=jnp.float32)
    return {"lattice_py": lattice_py, "positions": positions, "values": values}

def reference(lattice_py, positions, values):
    # SplatLattice: scatter-accumulate (splat) each point's value vector onto
    # its lattice vertex. Equivalent to a scatter-add into the lattice memory.
    out = lattice_py.at[positions].add(values)
    return out

if __name__ == "__main__":
    import jax
    _d = setup_inputs()
    print(jax.jit(kernel)(*tuple(_d.values())))

</pallas_src>

<mosaic_0001>
#map = affine_map<(d0, d1) -> (0)>
module attributes {stable_mosaic.version = 14 : i64} {
  func.func @_bin_phase(%arg0: i32, %arg1: i32, %arg2: memref<819200xi32, #tpu.memory_space<hbm>>, %arg3: memref<827520xi32, #tpu.memory_space<hbm>>, %arg4: memref<827520xi32, #tpu.memory_space<hbm>>, %arg5: memref<1024xi32, #tpu.memory_space<hbm>>, %arg6: memref<1024xi32, #tpu.memory_space<hbm>>, %arg7: memref<25600xi32, #tpu.memory_space<vmem>>, %arg8: memref<25600xi32, #tpu.memory_space<vmem>>, %arg9: memref<25856xi32, #tpu.memory_space<vmem>>, %arg10: memref<25856xi32, #tpu.memory_space<vmem>>, %arg11: memref<32xi32, #tpu.memory_space<vmem>>, %arg12: memref<32xi32, #tpu.memory_space<vmem>>, %arg13: memref<32xi32, #tpu.memory_space<vmem>>) attributes {dimension_semantics = [#tpu.dimension_semantics<core_parallel>, #tpu.dimension_semantics<subcore_parallel>], iteration_bounds = array<i64: 2, 16>, scalar_prefetch = 0 : i64, scratch_operands = 7 : i64, tpu.core_type = #tpu.core_type<sc_vector_subcore>, window_params = [{transform_indices = #map}, {transform_indices = #map}, {transform_indices = #map}, {transform_indices = #map}, {transform_indices = #map}]} {
    %mul3A = arith.constant 2 : i32
    %mul3A_0 = arith.muli %arg1, %mul3A : i32
    %add3A = arith.addi %mul3A_0, %arg0 : i32
    %mul3A_1 = arith.constant 25600 : i32
    %mul3A_2 = arith.muli %add3A, %mul3A_1 : i32
    %multiple_of3A = tpu.assume_multiple %mul3A_2, 8 : i32
    "tpu.region"() ({
      %run_scoped3A = tpu.sem_alloc : memref<!tpu.dma_semaphore, #tpu.memory_space<semaphore_mem>>
      %dma_start3A = tpu.memref_slice %arg2[%multiple_of3A] : memref<819200xi32, #tpu.memory_space<hbm>> -> memref<25600xi32, #tpu.memory_space<hbm>>
      %dma_start3A_58 = tpu.memref_slice %arg2[%multiple_of3A] : memref<819200xi32, #tpu.memory_space<hbm>> -> memref<25600xi32, #tpu.memory_space<hbm>>
      tpu.enqueue_dma source(%dma_start3A_58 : memref<25600xi32, #tpu.memory_space<hbm>>) target(%arg7 : memref<25600xi32, #tpu.memory_space<vmem>>) target_semaphore(%run_scoped3A : memref<!tpu.dma_semaphore, #tpu.memory_space<semaphore_mem>>)
      %dma_wait3A = tpu.memref_slice %arg2[%multiple_of3A] : memref<819200xi32, #tpu.memory_space<hbm>> -> memref<25600xi32, #tpu.memory_space<hbm>>
      %dma_wait3A_59 = tpu.memref_slice %arg2[%multiple_of3A] : memref<819200xi32, #tpu.memory_space<hbm>> -> memref<25600xi32, #tpu.memory_space<hbm>>
      tpu.wait_dma2 semaphore(%run_scoped3A : memref<!tpu.dma_semaphore, #tpu.memory_space<semaphore_mem>>) src(%dma_wait3A_59 : memref<25600xi32, #tpu.memory_space<hbm>>) dst(%arg7 : memref<25600xi32, #tpu.memory_space<vmem>>)
      tpu.yield
    }) : () -> ()
    %broadcast_in_dim3A = arith.constant 0 : i32
    %broadcast_in_dim3A_3 = vector.broadcast %broadcast_in_dim3A : i32 to vector<16xi32>
    %swap3A = arith.constant 0 : index
    %swap3A_4 = tpu.vector_load %arg11[%swap3A] {strides = array<i32>} : memref<32xi32, #tpu.memory_space<vmem>>, vector<16xi32>,
    tpu.vector_store %arg11[%swap3A], %broadcast_in_dim3A_3 {strides = array<i32>} : memref<32xi32, #tpu.memory_space<vmem>>, vector<16xi32>,
    %swap3A_5 = arith.constant 16 : index
    %swap3A_6 = tpu.vector_load %arg11[%swap3A_5] {strides = array<i32>} : memref<32xi32, #tpu.memory_space<vmem>>, vector<16xi32>,
    tpu.vector_store %arg11[%swap3A_5], %broadcast_in_dim3A_3 {strides = array<i32>} : memref<32xi32, #tpu.memory_space<vmem>>, vector<16xi32>,
    %scan3A = arith.constant 0 : i32
    %scan3A_7 = arith.constant 1600 : i32
    %scan3A_8 = arith.addi %scan3A, %scan3A_7 : i32
    %scan3A_9 = arith.constant 1 : i32
    scf.for %scan3A_58 = %scan3A to %scan3A_8 step %scan3A_9  : i32 {
      %mul3A_59 = arith.constant 1 : i32
      %mul3A_60 = arith.muli %scan3A_58, %mul3A_59 : i32
      %add3A_61 = arith.constant 0 : i32
      %add3A_62 = arith.addi %add3A_61, %mul3A_60 : i32
      %mul3A_63 = arith.constant 16 : i32
      %mul3A_64 = arith.muli %add3A_62, %mul3A_63 : i32
      %get3A_65 = arith.index_cast %mul3A_64 : i32 to index
      %get3A_66 = tpu.vector_load %arg7[%get3A_65] {strides = array<i32>} : memref<25600xi32, #tpu.memory_space<vmem>>, vector<16xi32>,
      %shift_right_logical3A = arith.constant 15 : i32
      %shift_right_logical3A_67 = vector.broadcast %shift_right_logical3A : i32 to vector<16xi32>
      %shift_right_logical3A_68 = arith.shrui %get3A_66, %shift_right_logical3A_67 : vector<16xi32>
      %mul3A_69 = arith.constant 16 : i32
      %mul3A_70 = arith.muli %add3A_62, %mul3A_69 : i32
      %swap3A_71 = arith.index_cast %mul3A_70 : i32 to index
      %swap3A_72 = tpu.vector_load %arg8[%swap3A_71] {strides = array<i32>} : memref<25600xi32, #tpu.memory_space<vmem>>, vector<16xi32>,
      tpu.vector_store %arg8[%swap3A_71], %shift_right_logical3A_68 {strides = array<i32>} : memref<25600xi32, #tpu.memory_space<vmem>>, vector<16xi32>,
      %broadcast_in_dim3A_73 = arith.constant true
      %broadcast_in_dim3A_74 = vector.broadcast %broadcast_in_dim3A_73 : i1 to vector<16xi1>
      %unique3A, %unique3A_75 = tpu.scan_count mask(%broadcast_in_dim3A_74 : vector<16xi1>) value(%shift_right_logical3A_68 : vector<16xi32>) : vector<16xi1>, vector<16xi32>
      %gather3A = tpu.vector_load_idx %arg11[%shift_right_logical3A_68] : memref<32xi32, #tpu.memory_space<vmem>>[vector<16xi32>], vector<16xi32>,
      %add3A_76 = arith.addi %gather3A, %unique3A_75 : vector<16xi32>
      tpu.vector_store_idx %arg11[%shift_right_logical3A_68], %add3A_76 masked %unique3A : memref<32xi32, #tpu.memory_space<vmem>>[vector<16xi32>], vector<16xi32>, vector<16xi1>
    }
    %scan3A_10 = arith.constant 1600 : i32
    %get3A = arith.constant 0 : index
    %get3A_11 = tpu.vector_load %arg11[%get3A] {strides = array<i32>} : memref<32xi32, #tpu.memory_space<vmem>>, vector<16xi32>,
    %get3A_12 = arith.constant 16 : index
    %get3A_13 = tpu.vector_load %arg11[%get3A_12] {strides = array<i32>} : memref<32xi32, #tpu.memory_space<vmem>>, vector<16xi32>,
    %add3A_14 = arith.constant 7 : i32
    %add3A_15 = vector.broadcast %add3A_14 : i32 to vector<16xi32>
    %add3A_16 = arith.addi %get3A_11, %add3A_15 : vector<16xi32>
    %and3A = arith.constant -8 : i32
    %and3A_17 = vector.broadcast %and3A : i32 to vector<16xi32>
    %and3A_18 = arith.andi %add3A_16, %and3A_17 : vector<16xi32>
    %add3A_19 = arith.constant 7 : i32
    %add3A_20 = vector.broadcast %add3A_19 : i32 to vector<16xi32>
    %add3A_21 = arith.addi %get3A_13, %add3A_20 : vector<16xi32>
    %and3A_22 = arith.constant -8 : i32
    %and3A_23 = vector.broadcast %and3A_22 : i32 to vector<16xi32>
    %and3A_24 = arith.andi %add3A_21, %and3A_23 : vector<16xi32>
    %broadcast_in_dim3A_25 = arith.constant true
    %broadcast_in_dim3A_26 = vector.broadcast %broadcast_in_dim3A_25 : i1 to vector<16xi1>
    %masked_cumsum3A = tpu.scan <sum>, %and3A_18 masked %broadcast_in_dim3A_26 : vector<16xi32>, vector<16xi1> -> vector<16xi32>
    %broadcast_in_dim3A_27 = arith.constant true
    %broadcast_in_dim3A_28 = vector.broadcast %broadcast_in_dim3A_27 : i1 to vector<16xi1>
    %masked_cumsum3A_29 = tpu.scan <sum>, %and3A_24 masked %broadcast_in_dim3A_28 : vector<16xi32>, vector<16xi1> -> vector<16xi32>
    %reduce_sum3A = arith.constant true
    %reduce_sum3A_30 = vector.broadcast %reduce_sum3A : i1 to vector<16xi1>
    %reduce_sum3A_31 = tpu.scan <sum>, %and3A_18 masked %reduce_sum3A_30 : vector<16xi32>, vector<16xi1> -> vector<16xi32>
    %reduce_sum3A_32 = vector.extract %reduce_sum3A_31[15] : i32 from vector<16xi32>
    %sub3A = arith.subi %masked_cumsum3A, %and3A_18 : vector<16xi32>
    %sub3A_33 = arith.subi %masked_cumsum3A_29, %and3A_24 : vector<16xi32>
    %add3A_34 = vector.broadcast %reduce_sum3A_32 : i32 to vector<16xi32>
    %add3A_35 = arith.addi %sub3A_33, %add3A_34 : vector<16xi32>
    %swap3A_36 = arith.constant 0 : index
    %swap3A_37 = tpu.vector_load %arg12[%swap3A_36] {strides = array<i32>} : memref<32xi32, #tpu.memory_space<vmem>>, vector<16xi32>,
    tpu.vector_store %arg12[%swap3A_36], %sub3A {strides = array<i32>} : memref<32xi32, #tpu.memory_space<vmem>>, vector<16xi32>,
    %swap3A_38 = arith.constant 16 : index
    %swap3A_39 = tpu.vector_load %arg12[%swap3A_38] {strides = array<i32>} : memref<32xi32, #tpu.memory_space<vmem>>, vector<16xi32>,
    tpu.vector_store %arg12[%swap3A_38], %add3A_35 {strides = array<i32>} : memref<32xi32, #tpu.memory_space<vmem>>, vector<16xi32>,
    %swap3A_40 = arith.constant 0 : index
    %swap3A_41 = tpu.vector_load %arg13[%swap3A_40] {strides = array<i32>} : memref<32xi32, #tpu.memory_space<vmem>>, vector<16xi32>,
    tpu.vector_store %arg13[%swap3A_40], %sub3A {strides = array<i32>} : memref<32xi32, #tpu.memory_space<vmem>>, vector<16xi32>,
    %swap3A_42 = arith.constant 16 : index
    %swap3A_43 = tpu.vector_load %arg13[%swap3A_42] {strides = array<i32>} : memref<32xi32, #tpu.memory_space<vmem>>, vector<16xi32>,
    tpu.vector_store %arg13[%swap3A_42], %add3A_35 {strides = array<i32>} : memref<32xi32, #tpu.memory_space<vmem>>, vector<16xi32>,
    %iota3A = tpu.iota {dimensions = array<i32: 0>} : vector<16xi32>
    %scan3A_44 = arith.constant 0 : i32
    %scan3A_45 = arith.constant 1600 : i32
    %scan3A_46 = arith.addi %scan3A_44, %scan3A_45 : i32
    %scan3A_47 = arith.constant 1 : i32
    scf.for %scan3A_58 = %scan3A_44 to %scan3A_46 step %scan3A_47  : i32 {
      %mul3A_59 = arith.constant 1 : i32
      %mul3A_60 = arith.muli %scan3A_58, %mul3A_59 : i32
      %add3A_61 = arith.constant 0 : i32
      %add3A_62 = arith.addi %add3A_61, %mul3A_60 : i32
      %mul3A_63 = arith.constant 16 : i32
      %mul3A_64 = arith.muli %add3A_62, %mul3A_63 : i32
      %get3A_65 = arith.index_cast %mul3A_64 : i32 to index
      %get3A_66 = tpu.vector_load %arg8[%get3A_65] {strides = array<i32>} : memref<25600xi32, #tpu.memory_space<vmem>>, vector<16xi32>,
      %broadcast_in_dim3A_67 = arith.constant true
      %broadcast_in_dim3A_68 = vector.broadcast %broadcast_in_dim3A_67 : i1 to vector<16xi1>
      %unique3A, %unique3A_69 = tpu.scan_count mask(%broadcast_in_dim3A_68 : vector<16xi1>) value(%get3A_66 : vector<16xi32>) : vector<16xi1>, vector<16xi32>
      %gather3A = tpu.vector_load_idx %arg13[%get3A_66] : memref<32xi32, #tpu.memory_space<vmem>>[vector<16xi32>], vector<16xi32>,
      %add3A_70 = arith.addi %gather3A, %unique3A_69 : vector<16xi32>
      %sub3A_71 = arith.constant 1 : i32
      %sub3A_72 = vector.broadcast %sub3A_71 : i32 to vector<16xi32>
      %sub3A_73 = arith.subi %add3A_70, %sub3A_72 : vector<16xi32>
      %mul3A_74 = arith.constant 16 : i32
      %mul3A_75 = arith.muli %add3A_62, %mul3A_74 : i32
      %get3A_76 = arith.index_cast %mul3A_75 : i32 to index
      %get3A_77 = tpu.vector_load %arg7[%get3A_76] {strides = array<i32>} : memref<25600xi32, #tpu.memory_space<vmem>>, vector<16xi32>,
      %mul3A_78 = arith.constant 16 : i32
      %mul3A_79 = arith.muli %add3A_62, %mul3A_78 : i32
      %add3A_80 = arith.addi %multiple_of3A, %mul3A_79 : i32
      %add3A_81 = vector.broadcast %add3A_80 : i32 to vector<16xi32>
      %add3A_82 = arith.addi %add3A_81, %iota3A : vector<16xi32>
      tpu.vector_store_idx %arg9[%sub3A_73], %get3A_77 : memref<25856xi32, #tpu.memory_space<vmem>>[vector<16xi32>], vector<16xi32>,
      tpu.vector_store_idx %arg10[%sub3A_73], %add3A_82 : memref<25856xi32, #tpu.memory_space<vmem>>[vector<16xi32>], vector<16xi32>,
      %add3A_83 = arith.addi %gather3A, %unique3A_69 : vector<16xi32>
      tpu.vector_store_idx %arg13[%get3A_66], %add3A_83 masked %unique3A : memref<32xi32, #tpu.memory_space<vmem>>[vector<16xi32>], vector<16xi32>, vector<16xi1>
    }
    %scan3A_48 = arith.constant 1600 : i32
    %mul3A_49 = arith.constant 25856 : i32
    %mul3A_50 = arith.muli %add3A, %mul3A_49 : i32
    %multiple_of3A_51 = tpu.assume_multiple %mul3A_50, 8 : i32
    "tpu.region"() ({
      %run_scoped3A = tpu.sem_alloc : memref<!tpu.dma_semaphore, #tpu.memory_space<semaphore_mem>>
      %dma_start3A = tpu.memref_slice %arg3[%multiple_of3A_51] : memref<827520xi32, #tpu.memory_space<hbm>> -> memref<25856xi32, #tpu.memory_space<hbm>>
      %dma_start3A_58 = tpu.memref_slice %arg3[%multiple_of3A_51] : memref<827520xi32, #tpu.memory_space<hbm>> -> memref<25856xi32, #tpu.memory_space<hbm>>
      tpu.enqueue_dma source(%arg9 : memref<25856xi32, #tpu.memory_space<vmem>>) target(%dma_start3A_58 : memref<25856xi32, #tpu.memory_space<hbm>>) target_semaphore(%run_scoped3A : memref<!tpu.dma_semaphore, #tpu.memory_space<semaphore_mem>>)
      %dma_wait3A = tpu.memref_slice %arg3[%multiple_of3A_51] : memref<827520xi32, #tpu.memory_space<hbm>> -> memref<25856xi32, #tpu.memory_space<hbm>>
      %dma_wait3A_59 = tpu.memref_slice %arg3[%multiple_of3A_51] : memref<827520xi32, #tpu.memory_space<hbm>> -> memref<25856xi32, #tpu.memory_space<hbm>>
      tpu.wait_dma2 semaphore(%run_scoped3A : memref<!tpu.dma_semaphore, #tpu.memory_space<semaphore_mem>>) src(%arg9 : memref<25856xi32, #tpu.memory_space<vmem>>) dst(%dma_wait3A_59 : memref<25856xi32, #tpu.memory_space<hbm>>)
      tpu.yield
    }) : () -> ()
    "tpu.region"() ({
      %run_scoped3A = tpu.sem_alloc : memref<!tpu.dma_semaphore, #tpu.memory_space<semaphore_mem>>
      %dma_start3A = tpu.memref_slice %arg4[%multiple_of3A_51] : memref<827520xi32, #tpu.memory_space<hbm>> -> memref<25856xi32, #tpu.memory_space<hbm>>
      %dma_start3A_58 = tpu.memref_slice %arg4[%multiple_of3A_51] : memref<827520xi32, #tpu.memory_space<hbm>> -> memref<25856xi32, #tpu.memory_space<hbm>>
      tpu.enqueue_dma source(%arg10 : memref<25856xi32, #tpu.memory_space<vmem>>) target(%dma_start3A_58 : memref<25856xi32, #tpu.memory_space<hbm>>) target_semaphore(%run_scoped3A : memref<!tpu.dma_semaphore, #tpu.memory_space<semaphore_mem>>)
      %dma_wait3A = tpu.memref_slice %arg4[%multiple_of3A_51] : memref<827520xi32, #tpu.memory_space<hbm>> -> memref<25856xi32, #tpu.memory_space<hbm>>
      %dma_wait3A_59 = tpu.memref_slice %arg4[%multiple_of3A_51] : memref<827520xi32, #tpu.memory_space<hbm>> -> memref<25856xi32, #tpu.memory_space<hbm>>
      tpu.wait_dma2 semaphore(%run_scoped3A : memref<!tpu.dma_semaphore, #tpu.memory_space<semaphore_mem>>) src(%arg10 : memref<25856xi32, #tpu.memory_space<vmem>>) dst(%dma_wait3A_59 : memref<25856xi32, #tpu.memory_space<hbm>>)
      tpu.yield
    }) : () -> ()
    %mul3A_52 = arith.constant 32 : i32
    %mul3A_53 = arith.muli %add3A, %mul3A_52 : i32
    %multiple_of3A_54 = tpu.assume_multiple %mul3A_53, 8 : i32
    "tpu.region"() ({
      %run_scoped3A = tpu.sem_alloc : memref<!tpu.dma_semaphore, #tpu.memory_space<semaphore_mem>>
      %dma_start3A = tpu.memref_slice %arg5[%multiple_of3A_54] : memref<1024xi32, #tpu.memory_space<hbm>> -> memref<32xi32, #tpu.memory_space<hbm>>
      %dma_start3A_58 = tpu.memref_slice %arg5[%multiple_of3A_54] : memref<1024xi32, #tpu.memory_space<hbm>> -> memref<32xi32, #tpu.memory_space<hbm>>
      tpu.enqueue_dma source(%arg11 : memref<32xi32, #tpu.memory_space<vmem>>) target(%dma_start3A_58 : memref<32xi32, #tpu.memory_space<hbm>>) target_semaphore(%run_scoped3A : memref<!tpu.dma_semaphore, #tpu.memory_space<semaphore_mem>>)
      %dma_wait3A = tpu.memref_slice %arg5[%multiple_of3A_54] : memref<1024xi32, #tpu.memory_space<hbm>> -> memref<32xi32, #tpu.memory_space<hbm>>
      %dma_wait3A_59 = tpu.memref_slice %arg5[%multiple_of3A_54] : memref<1024xi32, #tpu.memory_space<hbm>> -> memref<32xi32, #tpu.memory_space<hbm>>
      tpu.wait_dma2 semaphore(%run_scoped3A : memref<!tpu.dma_semaphore, #tpu.memory_space<semaphore_mem>>) src(%arg11 : memref<32xi32, #tpu.memory_space<vmem>>) dst(%dma_wait3A_59 : memref<32xi32, #tpu.memory_space<hbm>>)
      tpu.yield
    }) : () -> ()
    %mul3A_55 = arith.constant 32 : i32
    %mul3A_56 = arith.muli %add3A, %mul3A_55 : i32
    %multiple_of3A_57 = tpu.assume_multiple %mul3A_56, 8 : i32
    "tpu.region"() ({
      %run_scoped3A = tpu.sem_alloc : memref<!tpu.dma_semaphore, #tpu.memory_space<semaphore_mem>>
      %dma_start3A = tpu.memref_slice %arg6[%multiple_of3A_57] : memref<1024xi32, #tpu.memory_space<hbm>> -> memref<32xi32, #tpu.memory_space<hbm>>
      %dma_start3A_58 = tpu.memref_slice %arg6[%multiple_of3A_57] : memref<1024xi32, #tpu.memory_space<hbm>> -> memref<32xi32, #tpu.memory_space<hbm>>
      tpu.enqueue_dma source(%arg12 : memref<32xi32, #tpu.memory_space<vmem>>) target(%dma_start3A_58 : memref<32xi32, #tpu.memory_space<hbm>>) target_semaphore(%run_scoped3A : memref<!tpu.dma_semaphore, #tpu.memory_space<semaphore_mem>>)
      %dma_wait3A = tpu.memref_slice %arg6[%multiple_of3A_57] : memref<1024xi32, #tpu.memory_space<hbm>> -> memref<32xi32, #tpu.memory_space<hbm>>
      %dma_wait3A_59 = tpu.memref_slice %arg6[%multiple_of3A_57] : memref<1024xi32, #tpu.memory_space<hbm>> -> memref<32xi32, #tpu.memory_space<hbm>>
      tpu.wait_dma2 semaphore(%run_scoped3A : memref<!tpu.dma_semaphore, #tpu.memory_space<semaphore_mem>>) src(%arg12 : memref<32xi32, #tpu.memory_space<vmem>>) dst(%dma_wait3A_59 : memref<32xi32, #tpu.memory_space<hbm>>)
      tpu.yield
    }) : () -> ()
    return
  }
}

#map = affine_map<(d0, d1) -> (0)>
#map1 = affine_map<(d0, d1) -> (0, 0)>
module attributes {stable_mosaic.version = 14 : i64} {
  func.func @_acc_phase(%arg0: i32, %arg1: i32, %arg2: memref<827520xi32, #tpu.memory_space<hbm>>, %arg3: memref<827520xi32, #tpu.memory_space<hbm>>, %arg4: memref<1024xi32, #tpu.memory_space<hbm>>, %arg5: memref<1024xi32, #tpu.memory_space<hbm>>, %arg6: memref<819200x32xf32, #tpu.memory_space<hbm>>, %arg7: memref<1000000x32xf32, #tpu.memory_space<hbm>>, %arg8: memref<128xi32, #tpu.memory_space<vmem>>, %arg9: memref<128xi32, #tpu.memory_space<vmem>>, %arg10: memref<128xi32, #tpu.memory_space<vmem>>, %arg11: memref<128x32xf32, #tpu.memory_space<vmem>>, %arg12: memref<1024xi32, #tpu.memory_space<vmem>>, %arg13: memref<1024xi32, #tpu.memory_space<vmem>>, %arg14: memref<683x32xf32, #tpu.memory_space<vmem>>, %arg15: memref<32784x32xf32, #tpu.memory_space<vmem_shared>>, %arg16: memref<!tpu.dma_semaphore, #tpu.memory_space<semaphore_mem>>) attributes {dimension_semantics = [#tpu.dimension_semantics<core_parallel>, #tpu.dimension_semantics<subcore_parallel>], iteration_bounds = array<i64: 2, 16>, scalar_prefetch = 0 : i64, scratch_operands = 9 : i64, tpu.core_type = #tpu.core_type<sc_vector_subcore>, window_params = [{transform_indices = #map}, {transform_indices = #map}, {transform_indices = #map}, {transform_indices = #map}, {transform_indices = #map1}, {transform_indices = #map1}]} {
    %iota3A = tpu.iota {dimensions = array<i32: 0>} : vector<16xi32>
    %broadcast_in_dim3A = arith.constant 0.000000e+00 : f32
    %broadcast_in_dim3A_0 = vector.broadcast %broadcast_in_dim3A : f32 to vector<16xf32>
    "tpu.region"() ({
      %run_scoped3A = tpu.sem_alloc : memref<!tpu.dma_semaphore, #tpu.memory_space<semaphore_mem>>
      tpu.enqueue_dma source(%arg4 : memref<1024xi32, #tpu.memory_space<hbm>>) target(%arg12 : memref<1024xi32, #tpu.memory_space<vmem>>) target_semaphore(%run_scoped3A : memref<!tpu.dma_semaphore, #tpu.memory_space<semaphore_mem>>)
      tpu.wait_dma2 semaphore(%run_scoped3A : memref<!tpu.dma_semaphore, #tpu.memory_space<semaphore_mem>>) src(%arg4 : memref<1024xi32, #tpu.memory_space<hbm>>) dst(%arg12 : memref<1024xi32, #tpu.memory_space<vmem>>)
      tpu.yield
    }) : () -> ()
    "tpu.region"() ({
      %run_scoped3A = tpu.sem_alloc : memref<!tpu.dma_semaphore, #tpu.memory_space<semaphore_mem>>
      tpu.enqueue_dma source(%arg5 : memref<1024xi32, #tpu.memory_space<hbm>>) target(%arg13 : memref<1024xi32, #tpu.memory_space<vmem>>) target_semaphore(%run_scoped3A : memref<!tpu.dma_semaphore, #tpu.memory_space<semaphore_mem>>)
      tpu.wait_dma2 semaphore(%run_scoped3A : memref<!tpu.dma_semaphore, #tpu.memory_space<semaphore_mem>>) src(%arg5 : memref<1024xi32, #tpu.memory_space<hbm>>) dst(%arg13 : memref<1024xi32, #tpu.memory_space<vmem>>)
      tpu.yield
    }) : () -> ()
    %scan3A = arith.constant 0 : i32
    %scan3A_1 = arith.constant 683 : i32
    %scan3A_2 = arith.addi %scan3A, %scan3A_1 : i32
    %scan3A_3 = arith.constant 1 : i32
    scf.for %scan3A_10 = %scan3A to %scan3A_2 step %scan3A_3  : i32 {
      %mul3A = arith.constant 1 : i32
      %mul3A_11 = arith.muli %scan3A_10, %mul3A : i32
      %add3A = arith.constant 0 : i32
      %add3A_12 = arith.addi %add3A, %mul3A_11 : i32
      %swap3A = arith.index_cast %add3A_12 : i32 to index
      %swap3A_13 = arith.constant 0 : index
      %swap3A_14 = tpu.vector_load %arg14[%swap3A, %swap3A_13] {strides = array<i32>} : memref<683x32xf32, #tpu.memory_space<vmem>>, vector<16xf32>,
      tpu.vector_store %arg14[%swap3A, %swap3A_13], %broadcast_in_dim3A_0 {strides = array<i32>} : memref<683x32xf32, #tpu.memory_space<vmem>>, vector<16xf32>,
      %swap3A_15 = arith.index_cast %add3A_12 : i32 to index
      %swap3A_16 = arith.constant 16 : index
      %swap3A_17 = tpu.vector_load %arg14[%swap3A_15, %swap3A_16] {strides = array<i32>} : memref<683x32xf32, #tpu.memory_space<vmem>>, vector<16xf32>,
      tpu.vector_store %arg14[%swap3A_15, %swap3A_16], %broadcast_in_dim3A_0 {strides = array<i32>} : memref<683x32xf32, #tpu.memory_space<vmem>>, vector<16xf32>,
    }
    %scan3A_4 = arith.constant 683 : i32
    %scan3A_5 = arith.constant 0 : i32
    %scan3A_6 = arith.constant 16 : i32
    %scan3A_7 = arith.addi %scan3A_5, %scan3A_6 : i32
    %scan3A_8 = arith.constant 1 : i32
    scf.for %scan3A_10 = %scan3A_5 to %scan3A_7 step %scan3A_8  : i32 {
      %mul3A = arith.constant 1 : i32
      %mul3A_11 = arith.muli %scan3A_10, %mul3A : i32
      %add3A = arith.constant 0 : i32
      %add3A_12 = arith.addi %add3A, %mul3A_11 : i32
      %mul3A_13 = arith.constant 2 : i32
      %mul3A_14 = arith.muli %mul3A_13, %add3A_12 : i32
      %add3A_15 = arith.addi %mul3A_14, %arg0 : i32
      %mul3A_16 = arith.constant 2049 : i32
      %mul3A_17 = arith.muli %arg1, %mul3A_16 : i32
      %add3A_18 = arith.constant 0 : i32
      %add3A_19 = arith.addi %mul3A_17, %add3A_18 : i32
      "tpu.region"() ({
        %run_scoped3A = tpu.sem_alloc : memref<!tpu.dma_semaphore, #tpu.memory_space<semaphore_mem>>
        %dma_start3A = arith.constant 0 : i32
        %dma_start3A_169 = tpu.memref_slice %arg15[%add3A_19, %dma_start3A] : memref<32784x32xf32, #tpu.memory_space<vmem_shared>> -> memref<683x32xf32, #tpu.memory_space<vmem_shared>>
        %dma_start3A_170 = arith.constant 0 : i32
        %dma_start3A_171 = tpu.memref_slice %arg15[%add3A_19, %dma_start3A_170] : memref<32784x32xf32, #tpu.memory_space<vmem_shared>> -> memref<683x32xf32, #tpu.memory_space<vmem_shared>>
        tpu.enqueue_dma source(%arg14 : memref<683x32xf32, #tpu.memory_space<vmem>>) target(%dma_start3A_171 : memref<683x32xf32, #tpu.memory_space<vmem_shared>>) target_semaphore(%run_scoped3A : memref<!tpu.dma_semaphore, #tpu.memory_space<semaphore_mem>>)
        %dma_wait3A = arith.constant 0 : i32
        %dma_wait3A_172 = tpu.memref_slice %arg15[%add3A_19, %dma_wait3A] : memref<32784x32xf32, #tpu.memory_space<vmem_shared>> -> memref<683x32xf32, #tpu.memory_space<vmem_shared>>
        %dma_wait3A_173 = arith.constant 0 : i32
        %dma_wait3A_174 = tpu.memref_slice %arg15[%add3A_19, %dma_wait3A_173] : memref<32784x32xf32, #tpu.memory_space<vmem_shared>> -> memref<683x32xf32, #tpu.memory_space<vmem_shared>>
        tpu.wait_dma2 semaphore(%run_scoped3A : memref<!tpu.dma_semaphore, #tpu.memory_space<semaphore_mem>>) src(%arg14 : memref<683x32xf32, #tpu.memory_space<vmem>>) dst(%dma_wait3A_174 : memref<683x32xf32, #tpu.memory_space<vmem_shared>>)
        tpu.yield
      }) : () -> ()
      %mul3A_20 = arith.constant 2049 : i32
      %mul3A_21 = arith.muli %arg1, %mul3A_20 : i32
      %add3A_22 = arith.constant 683 : i32
      %add3A_23 = arith.addi %mul3A_21, %add3A_22 : i32
      "tpu.region"() ({
        %run_scoped3A = tpu.sem_alloc : memref<!tpu.dma_semaphore, #tpu.memory_space<semaphore_mem>>
        %dma_start3A = arith.constant 0 : i32
        %dma_start3A_169 = tpu.memref_slice %arg15[%add3A_23, %dma_start3A] : memref<32784x32xf32, #tpu.memory_space<vmem_shared>> -> memref<683x32xf32, #tpu.memory_space<vmem_shared>>
        %dma_start3A_170 = arith.constant 0 : i32
        %dma_start3A_171 = tpu.memref_slice %arg15[%add3A_23, %dma_start3A_170] : memref<32784x32xf32, #tpu.memory_space<vmem_shared>> -> memref<683x32xf32, #tpu.memory_space<vmem_shared>>
        tpu.enqueue_dma source(%arg14 : memref<683x32xf32, #tpu.memory_space<vmem>>) target(%dma_start3A_171 : memref<683x32xf32, #tpu.memory_space<vmem_shared>>) target_semaphore(%run_scoped3A : memref<!tpu.dma_semaphore, #tpu.memory_space<semaphore_mem>>)
        %dma_wait3A = arith.constant 0 : i32
        %dma_wait3A_172 = tpu.memref_slice %arg15[%add3A_23, %dma_wait3A] : memref<32784x32xf32, #tpu.memory_space<vmem_shared>> -> memref<683x32xf32, #tpu.memory_space<vmem_shared>>
        %dma_wait3A_173 = arith.constant 0 : i32
        %dma_wait3A_174 = tpu.memref_slice %arg15[%add3A_23, %dma_wait3A_173] : memref<32784x32xf32, #tpu.memory_space<vmem_shared>> -> memref<683x32xf32, #tpu.memory_space<vmem_shared>>
        tpu.wait_dma2 semaphore(%run_scoped3A : memref<!tpu.dma_semaphore, #tpu.memory_space<semaphore_mem>>) src(%arg14 : memref<683x32xf32, #tpu.memory_space<vmem>>) dst(%dma_wait3A_174 : memref<683x32xf32, #tpu.memory_space<vmem_shared>>)
        tpu.yield
      }) : () -> ()
      %mul3A_24 = arith.constant 2049 : i32
      %mul3A_25 = arith.muli %arg1, %mul3A_24 : i32
      %add3A_26 = arith.constant 1366 : i32
      %add3A_27 = arith.addi %mul3A_25, %add3A_26 : i32
      "tpu.region"() ({
        %run_scoped3A = tpu.sem_alloc : memref<!tpu.dma_semaphore, #tpu.memory_space<semaphore_mem>>
        %dma_start3A = arith.constant 0 : i32
        %dma_start3A_169 = tpu.memref_slice %arg15[%add3A_27, %dma_start3A] : memref<32784x32xf32, #tpu.memory_space<vmem_shared>> -> memref<683x32xf32, #tpu.memory_space<vmem_shared>>
        %dma_start3A_170 = arith.constant 0 : i32
        %dma_start3A_171 = tpu.memref_slice %arg15[%add3A_27, %dma_start3A_170] : memref<32784x32xf32, #tpu.memory_space<vmem_shared>> -> memref<683x32xf32, #tpu.memory_space<vmem_shared>>
        tpu.enqueue_dma source(%arg14 : memref<683x32xf32, #tpu.memory_space<vmem>>) target(%dma_start3A_171 : memref<683x32xf32, #tpu.memory_space<vmem_shared>>) target_semaphore(%run_scoped3A : memref<!tpu.dma_semaphore, #tpu.memory_space<semaphore_mem>>)
        %dma_wait3A = arith.constant 0 : i32
        %dma_wait3A_172 = tpu.memref_slice %arg15[%add3A_27, %dma_wait3A] : memref<32784x32xf32, #tpu.memory_space<vmem_shared>> -> memref<683x32xf32, #tpu.memory_space<vmem_shared>>
        %dma_wait3A_173 = arith.constant 0 : i32
        %dma_wait3A_174 = tpu.memref_slice %arg15[%add3A_27, %dma_wait3A_173] : memref<32784x32xf32, #tpu.memory_space<vmem_shared>> -> memref<683x32xf32, #tpu.memory_space<vmem_shared>>
        tpu.wait_dma2 semaphore(%run_scoped3A : memref<!tpu.dma_semaphore, #tpu.memory_space<semaphore_mem>>) src(%arg14 : memref<683x32xf32, #tpu.memory_space<vmem>>) dst(%dma_wait3A_174 : memref<683x32xf32, #tpu.memory_space<vmem_shared>>)
        tpu.yield
      }) : () -> ()
      %barrier3A = arith.constant 0 : index
      tpu.barrier barrier_id(%barrier3A)
      %mul3A_28 = arith.constant 2 : i32
      %mul3A_29 = arith.muli %mul3A_28, %arg1 : i32
      %add3A_30 = arith.constant 0 : i32
      %add3A_31 = arith.addi %mul3A_29, %add3A_30 : i32
      %mul3A_32 = arith.constant 32 : i32
      %mul3A_33 = arith.muli %add3A_31, %mul3A_32 : i32
      %add3A_34 = arith.addi %mul3A_33, %add3A_15 : i32
      %and3A = arith.constant 15 : i32
      %and3A_35 = arith.andi %add3A_34, %and3A : i32
      %sub3A = arith.subi %add3A_34, %and3A_35 : i32
      %multiple_of3A = tpu.assume_multiple %sub3A, 16 : i32
      %get3A = arith.index_cast %multiple_of3A : i32 to index
      %get3A_36 = tpu.vector_load %arg12[%get3A] {strides = array<i32>} : memref<1024xi32, #tpu.memory_space<vmem>>, vector<16xi32>,
      %iota3A_37 = tpu.iota {dimensions = array<i32: 0>} : vector<16xi32>
      %eq3A = vector.broadcast %and3A_35 : i32 to vector<16xi32>
      %eq3A_38 = arith.cmpi eq, %iota3A_37, %eq3A : vector<16xi32>
      %jit3A = arith.constant 0 : i32
      %broadcast_in_dim3A_39 = vector.broadcast %jit3A : i32 to vector<16xi32>
      %select_n3A = arith.select %eq3A_38, %get3A_36, %broadcast_in_dim3A_39 : vector<16xi1>, vector<16xi32>
      %reduce_sum3A = arith.constant true
      %reduce_sum3A_40 = vector.broadcast %reduce_sum3A : i1 to vector<16xi1>
      %reduce_sum3A_41 = tpu.scan <sum>, %select_n3A masked %reduce_sum3A_40 : vector<16xi32>, vector<16xi1> -> vector<16xi32>
      %reduce_sum3A_42 = vector.extract %reduce_sum3A_41[15] : i32 from vector<16xi32>
      %and3A_43 = arith.constant 15 : i32
      %and3A_44 = arith.andi %add3A_34, %and3A_43 : i32
      %sub3A_45 = arith.subi %add3A_34, %and3A_44 : i32
      %multiple_of3A_46 = tpu.assume_multiple %sub3A_45, 16 : i32
      %get3A_47 = arith.index_cast %multiple_of3A_46 : i32 to index
      %get3A_48 = tpu.vector_load %arg13[%get3A_47] {strides = array<i32>} : memref<1024xi32, #tpu.memory_space<vmem>>, vector<16xi32>,
      %iota3A_49 = tpu.iota {dimensions = array<i32: 0>} : vector<16xi32>
      %eq3A_50 = vector.broadcast %and3A_44 : i32 to vector<16xi32>
      %eq3A_51 = arith.cmpi eq, %iota3A_49, %eq3A_50 : vector<16xi32>
      %jit3A_52 = arith.constant 0 : i32
      %broadcast_in_dim3A_53 = vector.broadcast %jit3A_52 : i32 to vector<16xi32>
      %select_n3A_54 = arith.select %eq3A_51, %get3A_48, %broadcast_in_dim3A_53 : vector<16xi1>, vector<16xi32>
      %reduce_sum3A_55 = arith.constant true
      %reduce_sum3A_56 = vector.broadcast %reduce_sum3A_55 : i1 to vector<16xi1>
      %reduce_sum3A_57 = tpu.scan <sum>, %select_n3A_54 masked %reduce_sum3A_56 : vector<16xi32>, vector<16xi1> -> vector<16xi32>
      %reduce_sum3A_58 = vector.extract %reduce_sum3A_57[15] : i32 from vector<16xi32>
      %mul3A_59 = arith.constant 25856 : i32
      %mul3A_60 = arith.muli %add3A_31, %mul3A_59 : i32
      %add3A_61 = arith.addi %mul3A_60, %reduce_sum3A_58 : i32
      %multiple_of3A_62 = tpu.assume_multiple %add3A_61, 8 : i32
      %add3A_63 = arith.constant 127 : i32
      %add3A_64 = arith.addi %reduce_sum3A_42, %add3A_63 : i32
      %shift_right_logical3A = arith.constant 7 : i32
      %shift_right_logical3A_65 = arith.shrui %add3A_64, %shift_right_logical3A : i32
      %sub3A_66 = arith.constant 0 : i32
      %sub3A_67 = arith.subi %shift_right_logical3A_65, %sub3A_66 : i32
      %sub3A_68 = arith.constant 1 : i32
      %sub3A_69 = arith.constant 1 : i32
      %sub3A_70 = arith.subi %sub3A_68, %sub3A_69 : i32
      %add3A_71 = arith.addi %sub3A_67, %sub3A_70 : i32
      %div3A = arith.constant 1 : i32
      %div3A_72 = arith.divsi %add3A_71, %div3A : i32
      %while3A = arith.constant 1 : i32
      %while3A_73 = arith.constant 0 : i32
      %while3A_74 = arith.constant 0 : i32
      %while3A_75 = arith.subi %div3A_72, %while3A_74 : i32
      %while3A_76 = arith.addi %while3A_74, %while3A_75 : i32
      %while3A_77 = arith.constant 1 : i32
      %while3A_78 = arith.divsi %while3A_75, %while3A_77 : i32
      %while3A_79 = arith.muli %while3A_78, %while3A_77 : i32
      %while3A_80 = arith.addi %while3A_74, %while3A_79 : i32
      %while3A_81 = arith.constant 1 : i32
      scf.for %while3A_169 = %while3A_74 to %while3A_80 step %while3A_81  : i32 {
        %mul3A_170 = arith.muli %while3A_169, %while3A : i32
        %add3A_171 = arith.addi %while3A_73, %mul3A_170 : i32
        %mul3A_172 = arith.constant 128 : i32
        %mul3A_173 = arith.muli %add3A_171, %mul3A_172 : i32
        %add3A_174 = arith.addi %multiple_of3A_62, %mul3A_173 : i32
        %multiple_of3A_175 = tpu.assume_multiple %add3A_174, 8 : i32
        "tpu.region"() ({
          %run_scoped3A = tpu.sem_alloc : memref<!tpu.dma_semaphore, #tpu.memory_space<semaphore_mem>>
          %dma_start3A_366 = tpu.memref_slice %arg2[%multiple_of3A_175] : memref<827520xi32, #tpu.memory_space<hbm>> -> memref<128xi32, #tpu.memory_space<hbm>>
          %dma_start3A_367 = tpu.memref_slice %arg2[%multiple_of3A_175] : memref<827520xi32, #tpu.memory_space<hbm>> -> memref<128xi32, #tpu.memory_space<hbm>>
          tpu.enqueue_dma source(%dma_start3A_367 : memref<128xi32, #tpu.memory_space<hbm>>) target(%arg8 : memref<128xi32, #tpu.memory_space<vmem>>) target_semaphore(%run_scoped3A : memref<!tpu.dma_semaphore, #tpu.memory_space<semaphore_mem>>)
          %dma_wait3A_368 = tpu.memref_slice %arg2[%multiple_of3A_175] : memref<827520xi32, #tpu.memory_space<hbm>> -> memref<128xi32, #tpu.memory_space<hbm>>
          %dma_wait3A_369 = tpu.memref_slice %arg2[%multiple_of3A_175] : memref<827520xi32, #tpu.memory_space<hbm>> -> memref<128xi32, #tpu.memory_space<hbm>>
          tpu.wait_dma2 semaphore(%run_scoped3A : memref<!tpu.dma_semaphore, #tpu.memory_space<semaphore_mem>>) src(%dma_wait3A_369 : memref<128xi32, #tpu.memory_space<hbm>>) dst(%arg8 : memref<128xi32, #tpu.memory_space<vmem>>)
          tpu.yield
        }) : () -> ()
        "tpu.region"() ({
          %run_scoped3A = tpu.sem_alloc : memref<!tpu.dma_semaphore, #tpu.memory_space<semaphore_mem>>
          %dma_start3A_366 = tpu.memref_slice %arg3[%multiple_of3A_175] : memref<827520xi32, #tpu.memory_space<hbm>> -> memref<128xi32, #tpu.memory_space<hbm>>
          %dma_start3A_367 = tpu.memref_slice %arg3[%multiple_of3A_175] : memref<827520xi32, #tpu.memory_space<hbm>> -> memref<128xi32, #tpu.memory_space<hbm>>
          tpu.enqueue_dma source(%dma_start3A_367 : memref<128xi32, #tpu.memory_space<hbm>>) target(%arg9 : memref<128xi32, #tpu.memory_space<vmem>>) target_semaphore(%run_scoped3A : memref<!tpu.dma_semaphore, #tpu.memory_space<semaphore_mem>>)
          %dma_wait3A_368 = tpu.memref_slice %arg3[%multiple_of3A_175] : memref<827520xi32, #tpu.memory_space<hbm>> -> memref<128xi32, #tpu.memory_space<hbm>>
          %dma_wait3A_369 = tpu.memref_slice %arg3[%multiple_of3A_175] : memref<827520xi32, #tpu.memory_space<hbm>> -> memref<128xi32, #tpu.memory_space<hbm>>
          tpu.wait_dma2 semaphore(%run_scoped3A : memref<!tpu.dma_semaphore, #tpu.memory_space<semaphore_mem>>) src(%dma_wait3A_369 : memref<128xi32, #tpu.memory_space<hbm>>) dst(%arg9 : memref<128xi32, #tpu.memory_space<vmem>>)
          tpu.yield
        }) : () -> ()
        %mul3A_176 = arith.constant 128 : i32
        %mul3A_177 = arith.muli %add3A_171, %mul3A_176 : i32
        %sub3A_178 = arith.subi %reduce_sum3A_42, %mul3A_177 : i32
        %get3A_179 = arith.constant 0 : index
        %get3A_180 = tpu.vector_load %arg8[%get3A_179] {strides = array<i32>} : memref<128xi32, #tpu.memory_space<vmem>>, vector<16xi32>,
        %get3A_181 = arith.constant 0 : index
        %get3A_182 = tpu.vector_load %arg9[%get3A_181] {strides = array<i32>} : memref<128xi32, #tpu.memory_space<vmem>>, vector<16xi32>,
        %add3A_183 = arith.constant 0 : i32
        %add3A_184 = vector.broadcast %add3A_183 : i32 to vector<16xi32>
        %add3A_185 = arith.addi %add3A_184, %iota3A : vector<16xi32>
        %lt3A_186 = vector.broadcast %sub3A_178 : i32 to vector<16xi32>
        %lt3A_187 = arith.cmpi slt, %add3A_185, %lt3A_186 : vector<16xi32>
        %and3A_188 = arith.constant 32767 : i32
        %and3A_189 = vector.broadcast %and3A_188 : i32 to vector<16xi32>
        %and3A_190 = arith.andi %get3A_180, %and3A_189 : vector<16xi32>
        %add3A_191 = arith.constant 32768 : i32
        %add3A_192 = vector.broadcast %add3A_191 : i32 to vector<16xi32>
        %add3A_193 = arith.addi %add3A_192, %iota3A : vector<16xi32>
        %select_n3A_194 = arith.select %lt3A_187, %and3A_190, %add3A_193 : vector<16xi1>, vector<16xi32>
        %jit3A_195 = arith.constant 0 : i32
        %broadcast_in_dim3A_196 = vector.broadcast %jit3A_195 : i32 to vector<16xi32>
        %select_n3A_197 = arith.select %lt3A_187, %get3A_182, %broadcast_in_dim3A_196 : vector<16xi1>, vector<16xi32>
        %swap3A = arith.constant 0 : index
        %swap3A_198 = tpu.vector_load %arg10[%swap3A] {strides = array<i32>} : memref<128xi32, #tpu.memory_space<vmem>>, vector<16xi32>,
        tpu.vector_store %arg10[%swap3A], %select_n3A_194 {strides = array<i32>} : memref<128xi32, #tpu.memory_space<vmem>>, vector<16xi32>,
        %swap3A_199 = arith.constant 0 : index
        %swap3A_200 = tpu.vector_load %arg9[%swap3A_199] {strides = array<i32>} : memref<128xi32, #tpu.memory_space<vmem>>, vector<16xi32>,
        tpu.vector_store %arg9[%swap3A_199], %select_n3A_197 {strides = array<i32>} : memref<128xi32, #tpu.memory_space<vmem>>, vector<16xi32>,
        %get3A_201 = arith.constant 16 : index
        %get3A_202 = tpu.vector_load %arg8[%get3A_201] {strides = array<i32>} : memref<128xi32, #tpu.memory_space<vmem>>, vector<16xi32>,
        %get3A_203 = arith.constant 16 : index
        %get3A_204 = tpu.vector_load %arg9[%get3A_203] {strides = array<i32>} : memref<128xi32, #tpu.memory_space<vmem>>, vector<16xi32>,
        %add3A_205 = arith.constant 16 : i32
        %add3A_206 = vector.broadcast %add3A_205 : i32 to vector<16xi32>
        %add3A_207 = arith.addi %add3A_206, %iota3A : vector<16xi32>
        %lt3A_208 = vector.broadcast %sub3A_178 : i32 to vector<16xi32>
        %lt3A_209 = arith.cmpi slt, %add3A_207, %lt3A_208 : vector<16xi32>
        %and3A_210 = arith.constant 32767 : i32
        %and3A_211 = vector.broadcast %and3A_210 : i32 to vector<16xi32>
        %and3A_212 = arith.andi %get3A_202, %and3A_211 : vector<16xi32>
        %add3A_213 = arith.constant 32768 : i32
        %add3A_214 = vector.broadcast %add3A_213 : i32 to vector<16xi32>
        %add3A_215 = arith.addi %add3A_214, %iota3A : vector<16xi32>
        %select_n3A_216 = arith.select %lt3A_209, %and3A_212, %add3A_215 : vector<16xi1>, vector<16xi32>
        %jit3A_217 = arith.constant 0 : i32
        %broadcast_in_dim3A_218 = vector.broadcast %jit3A_217 : i32 to vector<16xi32>
        %select_n3A_219 = arith.select %lt3A_209, %get3A_204, %broadcast_in_dim3A_218 : vector<16xi1>, vector<16xi32>
        %swap3A_220 = arith.constant 16 : index
        %swap3A_221 = tpu.vector_load %arg10[%swap3A_220] {strides = array<i32>} : memref<128xi32, #tpu.memory_space<vmem>>, vector<16xi32>,
        tpu.vector_store %arg10[%swap3A_220], %select_n3A_216 {strides = array<i32>} : memref<128xi32, #tpu.memory_space<vmem>>, vector<16xi32>,
        %swap3A_222 = arith.constant 16 : index
        %swap3A_223 = tpu.vector_load %arg9[%swap3A_222] {strides = array<i32>} : memref<128xi32, #tpu.memory_space<vmem>>, vector<16xi32>,
        tpu.vector_store %arg9[%swap3A_222], %select_n3A_219 {strides = array<i32>} : memref<128xi32, #tpu.memory_space<vmem>>, vector<16xi32>,
        %get3A_224 = arith.constant 32 : index
        %get3A_225 = tpu.vector_load %arg8[%get3A_224] {strides = array<i32>} : memref<128xi32, #tpu.memory_space<vmem>>, vector<16xi32>,
        %get3A_226 = arith.constant 32 : index
        %get3A_227 = tpu.vector_load %arg9[%get3A_226] {strides = array<i32>} : memref<128xi32, #tpu.memory_space<vmem>>, vector<16xi32>,
        %add3A_228 = arith.constant 32 : i32
        %add3A_229 = vector.broadcast %add3A_228 : i32 to vector<16xi32>
        %add3A_230 = arith.addi %add3A_229, %iota3A : vector<16xi32>
        %lt3A_231 = vector.broadcast %sub3A_178 : i32 to vector<16xi32>
        %lt3A_232 = arith.cmpi slt, %add3A_230, %lt3A_231 : vector<16xi32>
        %and3A_233 = arith.constant 32767 : i32
        %and3A_234 = vector.broadcast %and3A_233 : i32 to vector<16xi32>
        %and3A_235 = arith.andi %get3A_225, %and3A_234 : vector<16xi32>
        %add3A_236 = arith.constant 32768 : i32
        %add3A_237 = vector.broadcast %add3A_236 : i32 to vector<16xi32>
        %add3A_238 = arith.addi %add3A_237, %iota3A : vector<16xi32>
        %select_n3A_239 = arith.select %lt3A_232, %and3A_235, %add3A_238 : vector<16xi1>, vector<16xi32>
        %jit3A_240 = arith.constant 0 : i32
        %broadcast_in_dim3A_241 = vector.broadcast %jit3A_240 : i32 to vector<16xi32>
        %select_n3A_242 = arith.select %lt3A_232, %get3A_227, %broadcast_in_dim3A_241 : vector<16xi1>, vector<16xi32>
        %swap3A_243 = arith.constant 32 : index
        %swap3A_244 = tpu.vector_load %arg10[%swap3A_243] {strides = array<i32>} : memref<128xi32, #tpu.memory_space<vmem>>, vector<16xi32>,
        tpu.vector_store %arg10[%swap3A_243], %select_n3A_239 {strides = array<i32>} : memref<128xi32, #tpu.memory_space<vmem>>, vector<16xi32>,
        %swap3A_245 = arith.constant 32 : index
        %swap3A_246 = tpu.vector_load %arg9[%swap3A_245] {strides = array<i32>} : memref<128xi32, #tpu.memory_space<vmem>>, vector<16xi32>,
        tpu.vector_store %arg9[%swap3A_245], %select_n3A_242 {strides = array<i32>} : memref<128xi32, #tpu.memory_space<vmem>>, vector<16xi32>,
        %get3A_247 = arith.constant 48 : index
        %get3A_248 = tpu.vector_load %arg8[%get3A_247] {strides = array<i32>} : memref<128xi32, #tpu.memory_space<vmem>>, vector<16xi32>,
        %get3A_249 = arith.constant 48 : index
        %get3A_250 = tpu.vector_load %arg9[%get3A_249] {strides = array<i32>} : memref<128xi32, #tpu.memory_space<vmem>>, vector<16xi32>,
        %add3A_251 = arith.constant 48 : i32
        %add3A_252 = vector.broadcast %add3A_251 : i32 to vector<16xi32>
        %add3A_253 = arith.addi %add3A_252, %iota3A : vector<16xi32>
        %lt3A_254 = vector.broadcast %sub3A_178 : i32 to vector<16xi32>
        %lt3A_255 = arith.cmpi slt, %add3A_253, %lt3A_254 : vector<16xi32>
        %and3A_256 = arith.constant 32767 : i32
        %and3A_257 = vector.broadcast %and3A_256 : i32 to vector<16xi32>
        %and3A_258 = arith.andi %get3A_248, %and3A_257 : vector<16xi32>
        %add3A_259 = arith.constant 32768 : i32
        %add3A_260 = vector.broadcast %add3A_259 : i32 to vector<16xi32>
        %add3A_261 = arith.addi %add3A_260, %iota3A : vector<16xi32>
        %select_n3A_262 = arith.select %lt3A_255, %and3A_258, %add3A_261 : vector<16xi1>, vector<16xi32>
        %jit3A_263 = arith.constant 0 : i32
        %broadcast_in_dim3A_264 = vector.broadcast %jit3A_263 : i32 to vector<16xi32>
        %select_n3A_265 = arith.select %lt3A_255, %get3A_250, %broadcast_in_dim3A_264 : vector<16xi1>, vector<16xi32>
        %swap3A_266 = arith.constant 48 : index
        %swap3A_267 = tpu.vector_load %arg10[%swap3A_266] {strides = array<i32>} : memref<128xi32, #tpu.memory_space<vmem>>, vector<16xi32>,
        tpu.vector_store %arg10[%swap3A_266], %select_n3A_262 {strides = array<i32>} : memref<128xi32, #tpu.memory_space<vmem>>, vector<16xi32>,
        %swap3A_268 = arith.constant 48 : index
        %swap3A_269 = tpu.vector_load %arg9[%swap3A_268] {strides = array<i32>} : memref<128xi32, #tpu.memory_space<vmem>>, vector<16xi32>,
        tpu.vector_store %arg9[%swap3A_268], %select_n3A_265 {strides = array<i32>} : memref<128xi32, #tpu.memory_space<vmem>>, vector<16xi32>,
        %get3A_270 = arith.constant 64 : index
        %get3A_271 = tpu.vector_load %arg8[%get3A_270] {strides = array<i32>} : memref<128xi32, #tpu.memory_space<vmem>>, vector<16xi32>,
        %get3A_272 = arith.constant 64 : index
        %get3A_273 = tpu.vector_load %arg9[%get3A_272] {strides = array<i32>} : memref<128xi32, #tpu.memory_space<vmem>>, vector<16xi32>,
        %add3A_274 = arith.constant 64 : i32
        %add3A_275 = vector.broadcast %add3A_274 : i32 to vector<16xi32>
        %add3A_276 = arith.addi %add3A_275, %iota3A : vector<16xi32>
        %lt3A_277 = vector.broadcast %sub3A_178 : i32 to vector<16xi32>
        %lt3A_278 = arith.cmpi slt, %add3A_276, %lt3A_277 : vector<16xi32>
        %and3A_279 = arith.constant 32767 : i32
        %and3A_280 = vector.broadcast %and3A_279 : i32 to vector<16xi32>
        %and3A_281 = arith.andi %get3A_271, %and3A_280 : vector<16xi32>
        %add3A_282 = arith.constant 32768 : i32
        %add3A_283 = vector.broadcast %add3A_282 : i32 to vector<16xi32>
        %add3A_284 = arith.addi %add3A_283, %iota3A : vector<16xi32>
        %select_n3A_285 = arith.select %lt3A_278, %and3A_281, %add3A_284 : vector<16xi1>, vector<16xi32>
        %jit3A_286 = arith.constant 0 : i32
        %broadcast_in_dim3A_287 = vector.broadcast %jit3A_286 : i32 to vector<16xi32>
        %select_n3A_288 = arith.select %lt3A_278, %get3A_273, %broadcast_in_dim3A_287 : vector<16xi1>, vector<16xi32>
        %swap3A_289 = arith.constant 64 : index
        %swap3A_290 = tpu.vector_load %arg10[%swap3A_289] {strides = array<i32>} : memref<128xi32, #tpu.memory_space<vmem>>, vector<16xi32>,
        tpu.vector_store %arg10[%swap3A_289], %select_n3A_285 {strides = array<i32>} : memref<128xi32, #tpu.memory_space<vmem>>, vector<16xi32>,
        %swap3A_291 = arith.constant 64 : index
        %swap3A_292 = tpu.vector_load %arg9[%swap3A_291] {strides = array<i32>} : memref<128xi32, #tpu.memory_space<vmem>>, vector<16xi32>,
        tpu.vector_store %arg9[%swap3A_291], %select_n3A_288 {strides = array<i32>} : memref<128xi32, #tpu.memory_space<vmem>>, vector<16xi32>,
        %get3A_293 = arith.constant 80 : index
        %get3A_294 = tpu.vector_load %arg8[%get3A_293] {strides = array<i32>} : memref<128xi32, #tpu.memory_space<vmem>>, vector<16xi32>,
        %get3A_295 = arith.constant 80 : index
        %get3A_296 = tpu.vector_load %arg9[%get3A_295] {strides = array<i32>} : memref<128xi32, #tpu.memory_space<vmem>>, vector<16xi32>,
        %add3A_297 = arith.constant 80 : i32
        %add3A_298 = vector.broadcast %add3A_297 : i32 to vector<16xi32>
        %add3A_299 = arith.addi %add3A_298, %iota3A : vector<16xi32>
        %lt3A_300 = vector.broadcast %sub3A_178 : i32 to vector<16xi32>
        %lt3A_301 = arith.cmpi slt, %add3A_299, %lt3A_300 : vector<16xi32>
        %and3A_302 = arith.constant 32767 : i32
        %and3A_303 = vector.broadcast %and3A_302 : i32 to vector<16xi32>
        %and3A_304 = arith.andi %get3A_294, %and3A_303 : vector<16xi32>
        %add3A_305 = arith.constant 32768 : i32
        %add3A_306 = vector.broadcast %add3A_305 : i32 to vector<16xi32>
        %add3A_307 = arith.addi %add3A_306, %iota3A : vector<16xi32>
        %select_n3A_308 = arith.select %lt3A_301, %and3A_304, %add3A_307 : vector<16xi1>, vector<16xi32>
        %jit3A_309 = arith.constant 0 : i32
        %broadcast_in_dim3A_310 = vector.broadcast %jit3A_309 : i32 to vector<16xi32>
        %select_n3A_311 = arith.select %lt3A_301, %get3A_296, %broadcast_in_dim3A_310 : vector<16xi1>, vector<16xi32>
        %swap3A_312 = arith.constant 80 : index
        %swap3A_313 = tpu.vector_load %arg10[%swap3A_312] {strides = array<i32>} : memref<128xi32, #tpu.memory_space<vmem>>, vector<16xi32>,
        tpu.vector_store %arg10[%swap3A_312], %select_n3A_308 {strides = array<i32>} : memref<128xi32, #tpu.memory_space<vmem>>, vector<16xi32>,
        %swap3A_314 = arith.constant 80 : index
        %swap3A_315 = tpu.vector_load %arg9[%swap3A_314] {strides = array<i32>} : memref<128xi32, #tpu.memory_space<vmem>>, vector<16xi32>,
        tpu.vector_store %arg9[%swap3A_314], %select_n3A_311 {strides = array<i32>} : memref<128xi32, #tpu.memory_space<vmem>>, vector<16xi32>,
        %get3A_316 = arith.constant 96 : index
        %get3A_317 = tpu.vector_load %arg8[%get3A_316] {strides = array<i32>} : memref<128xi32, #tpu.memory_space<vmem>>, vector<16xi32>,
        %get3A_318 = arith.constant 96 : index
        %get3A_319 = tpu.vector_load %arg9[%get3A_318] {strides = array<i32>} : memref<128xi32, #tpu.memory_space<vmem>>, vector<16xi32>,
        %add3A_320 = arith.constant 96 : i32
        %add3A_321 = vector.broadcast %add3A_320 : i32 to vector<16xi32>
        %add3A_322 = arith.addi %add3A_321, %iota3A : vector<16xi32>
        %lt3A_323 = vector.broadcast %sub3A_178 : i32 to vector<16xi32>
        %lt3A_324 = arith.cmpi slt, %add3A_322, %lt3A_323 : vector<16xi32>
        %and3A_325 = arith.constant 32767 : i32
        %and3A_326 = vector.broadcast %and3A_325 : i32 to vector<16xi32>
        %and3A_327 = arith.andi %get3A_317, %and3A_326 : vector<16xi32>
        %add3A_328 = arith.constant 32768 : i32
        %add3A_329 = vector.broadcast %add3A_328 : i32 to vector<16xi32>
        %add3A_330 = arith.addi %add3A_329, %iota3A : vector<16xi32>
        %select_n3A_331 = arith.select %lt3A_324, %and3A_327, %add3A_330 : vector<16xi1>, vector<16xi32>
        %jit3A_332 = arith.constant 0 : i32
        %broadcast_in_dim3A_333 = vector.broadcast %jit3A_332 : i32 to vector<16xi32>
        %select_n3A_334 = arith.select %lt3A_324, %get3A_319, %broadcast_in_dim3A_333 : vector<16xi1>, vector<16xi32>
        %swap3A_335 = arith.constant 96 : index
        %swap3A_336 = tpu.vector_load %arg10[%swap3A_335] {strides = array<i32>} : memref<128xi32, #tpu.memory_space<vmem>>, vector<16xi32>,
        tpu.vector_store %arg10[%swap3A_335], %select_n3A_331 {strides = array<i32>} : memref<128xi32, #tpu.memory_space<vmem>>, vector<16xi32>,
        %swap3A_337 = arith.constant 96 : index
        %swap3A_338 = tpu.vector_load %arg9[%swap3A_337] {strides = array<i32>} : memref<128xi32, #tpu.memory_space<vmem>>, vector<16xi32>,
        tpu.vector_store %arg9[%swap3A_337], %select_n3A_334 {strides = array<i32>} : memref<128xi32, #tpu.memory_space<vmem>>, vector<16xi32>,
        %get3A_339 = arith.constant 112 : index
        %get3A_340 = tpu.vector_load %arg8[%get3A_339] {strides = array<i32>} : memref<128xi32, #tpu.memory_space<vmem>>, vector<16xi32>,
        %get3A_341 = arith.constant 112 : index
        %get3A_342 = tpu.vector_load %arg9[%get3A_341] {strides = array<i32>} : memref<128xi32, #tpu.memory_space<vmem>>, vector<16xi32>,
        %add3A_343 = arith.constant 112 : i32
        %add3A_344 = vector.broadcast %add3A_343 : i32 to vector<16xi32>
        %add3A_345 = arith.addi %add3A_344, %iota3A : vector<16xi32>
        %lt3A_346 = vector.broadcast %sub3A_178 : i32 to vector<16xi32>
        %lt3A_347 = arith.cmpi slt, %add3A_345, %lt3A_346 : vector<16xi32>
        %and3A_348 = arith.constant 32767 : i32
        %and3A_349 = vector.broadcast %and3A_348 : i32 to vector<16xi32>
        %and3A_350 = arith.andi %get3A_340, %and3A_349 : vector<16xi32>
        %add3A_351 = arith.constant 32768 : i32
        %add3A_352 = vector.broadcast %add3A_351 : i32 to vector<16xi32>
        %add3A_353 = arith.addi %add3A_352, %iota3A : vector<16xi32>
        %select_n3A_354 = arith.select %lt3A_347, %and3A_350, %add3A_353 : vector<16xi1>, vector<16xi32>
        %jit3A_355 = arith.constant 0 : i32
        %broadcast_in_dim3A_356 = vector.broadcast %jit3A_355 : i32 to vector<16xi32>
        %select_n3A_357 = arith.select %lt3A_347, %get3A_342, %broadcast_in_dim3A_356 : vector<16xi1>, vector<16xi32>
        %swap3A_358 = arith.constant 112 : index
        %swap3A_359 = tpu.vector_load %arg10[%swap3A_358] {strides = array<i32>} : memref<128xi32, #tpu.memory_space<vmem>>, vector<16xi32>,
        tpu.vector_store %arg10[%swap3A_358], %select_n3A_354 {strides = array<i32>} : memref<128xi32, #tpu.memory_space<vmem>>, vector<16xi32>,
        %swap3A_360 = arith.constant 112 : index
        %swap3A_361 = tpu.vector_load %arg9[%swap3A_360] {strides = array<i32>} : memref<128xi32, #tpu.memory_space<vmem>>, vector<16xi32>,
        tpu.vector_store %arg9[%swap3A_360], %select_n3A_357 {strides = array<i32>} : memref<128xi32, #tpu.memory_space<vmem>>, vector<16xi32>,
        %dma_start3A = arith.constant 0 : i32
        %dma_start3A_362 = arith.constant 0 : i32
        %dma_start3A_363 = tpu.memref_slice %arg6[%dma_start3A, %dma_start3A_362] : memref<819200x32xf32, #tpu.memory_space<hbm>> -> memref<819200x32xf32, #tpu.memory_space<hbm>>
        tpu.enqueue_indirect_dma source(%dma_start3A_363 : memref<819200x32xf32, #tpu.memory_space<hbm>>) target(%arg11 : memref<128x32xf32, #tpu.memory_space<vmem>>) offsets(%arg9 : memref<128xi32, #tpu.memory_space<vmem>>) semaphore(%arg16 : memref<!tpu.dma_semaphore, #tpu.memory_space<semaphore_mem>>)
        %dma_wait3A = arith.constant 0 : i32
        %dma_wait3A_364 = arith.constant 0 : i32
        %dma_wait3A_365 = tpu.memref_slice %arg6[%dma_wait3A, %dma_wait3A_364] : memref<819200x32xf32, #tpu.memory_space<hbm>> -> memref<819200x32xf32, #tpu.memory_space<hbm>>
        tpu.wait_indirect_dma semaphore(%arg16 : memref<!tpu.dma_semaphore, #tpu.memory_space<semaphore_mem>>) src(%dma_wait3A_365 : memref<819200x32xf32, #tpu.memory_space<hbm>>) dst(%arg11 : memref<128x32xf32, #tpu.memory_space<vmem>>)
        "tpu.region"() ({
          %run_scoped3A = tpu.sem_alloc : memref<!tpu.dma_semaphore, #tpu.memory_space<semaphore_mem>>
          %dma_start3A_366 = arith.constant 0 : i32
          %dma_start3A_367 = arith.constant 0 : i32
          %dma_start3A_368 = tpu.memref_slice %arg15[%dma_start3A_366, %dma_start3A_367] : memref<32784x32xf32, #tpu.memory_space<vmem_shared>> -> memref<32784x32xf32, #tpu.memory_space<vmem_shared>>
          tpu.enqueue_indirect_dma source(%arg11 : memref<128x32xf32, #tpu.memory_space<vmem>>) target(%dma_start3A_368 : memref<32784x32xf32, #tpu.memory_space<vmem_shared>>) offsets(%arg10 : memref<128xi32, #tpu.memory_space<vmem>>) semaphore(%run_scoped3A : memref<!tpu.dma_semaphore, #tpu.memory_space<semaphore_mem>>) {add = true}
          %dma_wait3A_369 = arith.constant 0 : i32
          %dma_wait3A_370 = arith.constant 0 : i32
          %dma_wait3A_371 = tpu.memref_slice %arg15[%dma_wait3A_369, %dma_wait3A_370] : memref<32784x32xf32, #tpu.memory_space<vmem_shared>> -> memref<32784x32xf32, #tpu.memory_space<vmem_shared>>
          tpu.wait_indirect_dma semaphore(%run_scoped3A : memref<!tpu.dma_semaphore, #tpu.memory_space<semaphore_mem>>) src(%arg11 : memref<128x32xf32, #tpu.memory_space<vmem>>) dst(%dma_wait3A_371 : memref<32784x32xf32, #tpu.memory_space<vmem_shared>>)
          tpu.yield
        }) : () -> ()
      }
      %while3A_82 = arith.constant 1 : i32
      scf.for %while3A_169 = %while3A_80 to %while3A_76 step %while3A_82  : i32 {
        %mul3A_170 = arith.muli %while3A_169, %while3A : i32
        %add3A_171 = arith.addi %while3A_73, %mul3A_170 : i32
        %mul3A_172 = arith.constant 128 : i32
        %mul3A_173 = arith.muli %add3A_171, %mul3A_172 : i32
        %add3A_174 = arith.addi %multiple_of3A_62, %mul3A_173 : i32
        %multiple_of3A_175 = tpu.assume_multiple %add3A_174, 8 : i32
        "tpu.region"() ({
          %run_scoped3A = tpu.sem_alloc : memref<!tpu.dma_semaphore, #tpu.memory_space<semaphore_mem>>
          %dma_start3A_366 = tpu.memref_slice %arg2[%multiple_of3A_175] : memref<827520xi32, #tpu.memory_space<hbm>> -> memref<128xi32, #tpu.memory_space<hbm>>
          %dma_start3A_367 = tpu.memref_slice %arg2[%multiple_of3A_175] : memref<827520xi32, #tpu.memory_space<hbm>> -> memref<128xi32, #tpu.memory_space<hbm>>
          tpu.enqueue_dma source(%dma_start3A_367 : memref<128xi32, #tpu.memory_space<hbm>>) target(%arg8 : memref<128xi32, #tpu.memory_space<vmem>>) target_semaphore(%run_scoped3A : memref<!tpu.dma_semaphore, #tpu.memory_space<semaphore_mem>>)
          %dma_wait3A_368 = tpu.memref_slice %arg2[%multiple_of3A_175] : memref<827520xi32, #tpu.memory_space<hbm>> -> memref<128xi32, #tpu.memory_space<hbm>>
          %dma_wait3A_369 = tpu.memref_slice %arg2[%multiple_of3A_175] : memref<827520xi32, #tpu.memory_space<hbm>> -> memref<128xi32, #tpu.memory_space<hbm>>
          tpu.wait_dma2 semaphore(%run_scoped3A : memref<!tpu.dma_semaphore, #tpu.memory_space<semaphore_mem>>) src(%dma_wait3A_369 : memref<128xi32, #tpu.memory_space<hbm>>) dst(%arg8 : memref<128xi32, #tpu.memory_space<vmem>>)
          tpu.yield
        }) : () -> ()
        "tpu.region"() ({
          %run_scoped3A = tpu.sem_alloc : memref<!tpu.dma_semaphore, #tpu.memory_space<semaphore_mem>>
          %dma_start3A_366 = tpu.memref_slice %arg3[%multiple_of3A_175] : memref<827520xi32, #tpu.memory_space<hbm>> -> memref<128xi32, #tpu.memory_space<hbm>>
          %dma_start3A_367 = tpu.memref_slice %arg3[%multiple_of3A_175] : memref<827520xi32, #tpu.memory_space<hbm>> -> memref<128xi32, #tpu.memory_space<hbm>>
          tpu.enqueue_dma source(%dma_start3A_367 : memref<128xi32, #tpu.memory_space<hbm>>) target(%arg9 : memref<128xi32, #tpu.memory_space<vmem>>) target_semaphore(%run_scoped3A : memref<!tpu.dma_semaphore, #tpu.memory_space<semaphore_mem>>)
          %dma_wait3A_368 = tpu.memref_slice %arg3[%multiple_of3A_175] : memref<827520xi32, #tpu.memory_space<hbm>> -> memref<128xi32, #tpu.memory_space<hbm>>
          %dma_wait3A_369 = tpu.memref_slice %arg3[%multiple_of3A_175] : memref<827520xi32, #tpu.memory_space<hbm>> -> memref<128xi32, #tpu.memory_space<hbm>>
          tpu.wait_dma2 semaphore(%run_scoped3A : memref<!tpu.dma_semaphore, #tpu.memory_space<semaphore_mem>>) src(%dma_wait3A_369 : memref<128xi32, #tpu.memory_space<hbm>>) dst(%arg9 : memref<128xi32, #tpu.memory_space<vmem>>)
          tpu.yield
        }) : () -> ()
        %mul3A_176 = arith.constant 128 : i32
        %mul3A_177 = arith.muli %add3A_171, %mul3A_176 : i32
        %sub3A_178 = arith.subi %reduce_sum3A_42, %mul3A_177 : i32
        %get3A_179 = arith.constant 0 : index
        %get3A_180 = tpu.vector_load %arg8[%get3A_179] {strides = array<i32>} : memref<128xi32, #tpu.memory_space<vmem>>, vector<16xi32>,
        %get3A_181 = arith.constant 0 : index
        %get3A_182 = tpu.vector_load %arg9[%get3A_181] {strides = array<i32>} : memref<128xi32, #tpu.memory_space<vmem>>, vector<16xi32>,
        %add3A_183 = arith.constant 0 : i32
        %add3A_184 = vector.broadcast %add3A_183 : i32 to vector<16xi32>
        %add3A_185 = arith.addi %add3A_184, %iota3A : vector<16xi32>
        %lt3A_186 = vector.broadcast %sub3A_178 : i32 to vector<16xi32>
        %lt3A_187 = arith.cmpi slt, %add3A_185, %lt3A_186 : vector<16xi32>
        %and3A_188 = arith.constant 32767 : i32
        %and3A_189 = vector.broadcast %and3A_188 : i32 to vector<16xi32>
        %and3A_190 = arith.andi %get3A_180, %and3A_189 : vector<16xi32>
        %add3A_191 = arith.constant 32768 : i32
        %add3A_192 = vector.broadcast %add3A_191 : i32 to vector<16xi32>
        %add3A_193 = arith.addi %add3A_192, %iota3A : vector<16xi32>
        %select_n3A_194 = arith.select %lt3A_187, %and3A_190, %add3A_193 : vector<16xi1>, vector<16xi32>
        %jit3A_195 = arith.constant 0 : i32
        %broadcast_in_dim3A_196 = vector.broadcast %jit3A_195 : i32 to vector<16xi32>
        %select_n3A_197 = arith.select %lt3A_187, %get3A_182, %broadcast_in_dim3A_196 : vector<16xi1>, vector<16xi32>
        %swap3A = arith.constant 0 : index
        %swap3A_198 = tpu.vector_load %arg10[%swap3A] {strides = array<i32>} : memref<128xi32, #tpu.memory_space<vmem>>, vector<16xi32>,
        tpu.vector_store %arg10[%swap3A], %select_n3A_194 {strides = array<i32>} : memref<128xi32, #tpu.memory_space<vmem>>, vector<16xi32>,
        %swap3A_199 = arith.constant 0 : index
        %swap3A_200 = tpu.vector_load %arg9[%swap3A_199] {strides = array<i32>} : memref<128xi32, #tpu.memory_space<vmem>>, vector<16xi32>,
        tpu.vector_store %arg9[%swap3A_199], %select_n3A_197 {strides = array<i32>} : memref<128xi32, #tpu.memory_space<vmem>>, vector<16xi32>,
        %get3A_201 = arith.constant 16 : index
        %get3A_202 = tpu.vector_load %arg8[%get3A_201] {strides = array<i32>} : memref<128xi32, #tpu.memory_space<vmem>>, vector<16xi32>,
        %get3A_203 = arith.constant 16 : index
        %get3A_204 = tpu.vector_load %arg9[%get3A_203] {strides = array<i32>} : memref<128xi32, #tpu.memory_space<vmem>>, vector<16xi32>,
        %add3A_205 = arith.constant 16 : i32
        %add3A_206 = vector.broadcast %add3A_205 : i32 to vector<16xi32>
        %add3A_207 = arith.addi %add3A_206, %iota3A : vector<16xi32>
        %lt3A_208 = vector.broadcast %sub3A_178 : i32 to vector<16xi32>
        %lt3A_209 = arith.cmpi slt, %add3A_207, %lt3A_208 : vector<16xi32>
        %and3A_210 = arith.constant 32767 : i32
        %and3A_211 = vector.broadcast %and3A_210 : i32 to vector<16xi32>
        %and3A_212 = arith.andi %get3A_202, %and3A_211 : vector<16xi32>
        %add3A_213 = arith.constant 32768 : i32
        %add3A_214 = vector.broadcast %add3A_213 : i32 to vector<16xi32>
        %add3A_215 = arith.addi %add3A_214, %iota3A : vector<16xi32>
        %select_n3A_216 = arith.select %lt3A_209, %and3A_212, %add3A_215 : vector<16xi1>, vector<16xi32>
        %jit3A_217 = arith.constant 0 : i32
        %broadcast_in_dim3A_218 = vector.broadcast %jit3A_217 : i32 to vector<16xi32>
        %select_n3A_219 = arith.select %lt3A_209, %get3A_204, %broadcast_in_dim3A_218 : vector<16xi1>, vector<16xi32>
        %swap3A_220 = arith.constant 16 : index
        %swap3A_221 = tpu.vector_load %arg10[%swap3A_220] {strides = array<i32>} : memref<128xi32, #tpu.memory_space<vmem>>, vector<16xi32>,
        tpu.vector_store %arg10[%swap3A_220], %select_n3A_216 {strides = array<i32>} : memref<128xi32, #tpu.memory_space<vmem>>, vector<16xi32>,
        %swap3A_222 = arith.constant 16 : index
        %swap3A_223 = tpu.vector_load %arg9[%swap3A_222] {strides = array<i32>} : memref<128xi32, #tpu.memory_space<vmem>>, vector<16xi32>,
        tpu.vector_store %arg9[%swap3A_222], %select_n3A_219 {strides = array<i32>} : memref<128xi32, #tpu.memory_space<vmem>>, vector<16xi32>,
        %get3A_224 = arith.constant 32 : index
        %get3A_225 = tpu.vector_load %arg8[%get3A_224] {strides = array<i32>} : memref<128xi32, #tpu.memory_space<vmem>>, vector<16xi32>,
        %get3A_226 = arith.constant 32 : index
        %get3A_227 = tpu.vector_load %arg9[%get3A_226] {strides = array<i32>} : memref<128xi32, #tpu.memory_space<vmem>>, vector<16xi32>,
        %add3A_228 = arith.constant 32 : i32
        %add3A_229 = vector.broadcast %add3A_228 : i32 to vector<16xi32>
        %add3A_230 = arith.addi %add3A_229, %iota3A : vector<16xi32>
        %lt3A_231 = vector.broadcast %sub3A_178 : i32 to vector<16xi32>
        %lt3A_232 = arith.cmpi slt, %add3A_230, %lt3A_231 : vector<16xi32>
        %and3A_233 = arith.constant 32767 : i32
        %and3A_234 = vector.broadcast %and3A_233 : i32 to vector<16xi32>
        %and3A_235 = arith.andi %get3A_225, %and3A_234 : vector<16xi32>
        %add3A_236 = arith.constant 32768 : i32
        %add3A_237 = vector.broadcast %add3A_236 : i32 to vector<16xi32>
        %add3A_238 = arith.addi %add3A_237, %iota3A : vector<16xi32>
        %select_n3A_239 = arith.select %lt3A_232, %and3A_235, %add3A_238 : vector<16xi1>, vector<16xi32>
        %jit3A_240 = arith.constant 0 : i32
        %broadcast_in_dim3A_241 = vector.broadcast %jit3A_240 : i32 to vector<16xi32>
        %select_n3A_242 = arith.select %lt3A_232, %get3A_227, %broadcast_in_dim3A_241 : vector<16xi1>, vector<16xi32>
        %swap3A_243 = arith.constant 32 : index
        %swap3A_244 = tpu.vector_load %arg10[%swap3A_243] {strides = array<i32>} : memref<128xi32, #tpu.memory_space<vmem>>, vector<16xi32>,
        tpu.vector_store %arg10[%swap3A_243], %select_n3A_239 {strides = array<i32>} : memref<128xi32, #tpu.memory_space<vmem>>, vector<16xi32>,
        %swap3A_245 = arith.constant 32 : index
        %swap3A_246 = tpu.vector_load %arg9[%swap3A_245] {strides = array<i32>} : memref<128xi32, #tpu.memory_space<vmem>>, vector<16xi32>,
        tpu.vector_store %arg9[%swap3A_245], %select_n3A_242 {strides = array<i32>} : memref<128xi32, #tpu.memory_space<vmem>>, vector<16xi32>,
        %get3A_247 = arith.constant 48 : index
        %get3A_248 = tpu.vector_load %arg8[%get3A_247] {strides = array<i32>} : memref<128xi32, #tpu.memory_space<vmem>>, vector<16xi32>,
        %get3A_249 = arith.constant 48 : index
        %get3A_250 = tpu.vector_load %arg9[%get3A_249] {strides = array<i32>} : memref<128xi32, #tpu.memory_space<vmem>>, vector<16xi32>,
        %add3A_251 = arith.constant 48 : i32
        %add3A_252 = vector.broadcast %add3A_251 : i32 to vector<16xi32>
        %add3A_253 = arith.addi %add3A_252, %iota3A : vector<16xi32>
        %lt3A_254 = vector.broadcast %sub3A_178 : i32 to vector<16xi32>
        %lt3A_255 = arith.cmpi slt, %add3A_253, %lt3A_254 : vector<16xi32>
        %and3A_256 = arith.constant 32767 : i32
        %and3A_257 = vector.broadcast %and3A_256 : i32 to vector<16xi32>
        %and3A_258 = arith.andi %get3A_248, %and3A_257 : vector<16xi32>
        %add3A_259 = arith.constant 32768 : i32
        %add3A_260 = vector.broadcast %add3A_259 : i32 to vector<16xi32>
        %add3A_261 = arith.addi %add3A_260, %iota3A : vector<16xi32>
        %select_n3A_262 = arith.select %lt3A_255, %and3A_258, %add3A_261 : vector<16xi1>, vector<16xi32>
        %jit3A_263 = arith.constant 0 : i32
        %broadcast_in_dim3A_264 = vector.broadcast %jit3A_263 : i32 to vector<16xi32>
        %select_n3A_265 = arith.select %lt3A_255, %get3A_250, %broadcast_in_dim3A_264 : vector<16xi1>, vector<16xi32>
        %swap3A_266 = arith.constant 48 : index
        %swap3A_267 = tpu.vector_load %arg10[%swap3A_266] {strides = array<i32>} : memref<128xi32, #tpu.memory_space<vmem>>, vector<16xi32>,
        tpu.vector_store %arg10[%swap3A_266], %select_n3A_262 {strides = array<i32>} : memref<128xi32, #tpu.memory_space<vmem>>, vector<16xi32>,
        %swap3A_268 = arith.constant 48 : index
        %swap3A_269 = tpu.vector_load %arg9[%swap3A_268] {strides = array<i32>} : memref<128xi32, #tpu.memory_space<vmem>>, vector<16xi32>,
        tpu.vector_store %arg9[%swap3A_268], %select_n3A_265 {strides = array<i32>} : memref<128xi32, #tpu.memory_space<vmem>>, vector<16xi32>,
        %get3A_270 = arith.constant 64 : index
        %get3A_271 = tpu.vector_load %arg8[%get3A_270] {strides = array<i32>} : memref<128xi32, #tpu.memory_space<vmem>>, vector<16xi32>,
        %get3A_272 = arith.constant 64 : index
        %get3A_273 = tpu.vector_load %arg9[%get3A_272] {strides = array<i32>} : memref<128xi32, #tpu.memory_space<vmem>>, vector<16xi32>,
        %add3A_274 = arith.constant 64 : i32
        %add3A_275 = vector.broadcast %add3A_274 : i32 to vector<16xi32>
        %add3A_276 = arith.addi %add3A_275, %iota3A : vector<16xi32>
        %lt3A_277 = vector.broadcast %sub3A_178 : i32 to vector<16xi32>
        %lt3A_278 = arith.cmpi slt, %add3A_276, %lt3A_277 : vector<16xi32>
        %and3A_279 = arith.constant 32767 : i32
        %and3A_280 = vector.broadcast %and3A_279 : i32 to vector<16xi32>
        %and3A_281 = arith.andi %get3A_271, %and3A_280 : vector<16xi32>
        %add3A_282 = arith.constant 32768 : i32
        %add3A_283 = vector.broadcast %add3A_282 : i32 to vector<16xi32>
        %add3A_284 = arith.addi %add3A_283, %iota3A : vector<16xi32>
        %select_n3A_285 = arith.select %lt3A_278, %and3A_281, %add3A_284 : vector<16xi1>, vector<16xi32>
        %jit3A_286 = arith.constant 0 : i32
        %broadcast_in_dim3A_287 = vector.broadcast %jit3A_286 : i32 to vector<16xi32>
        %select_n3A_288 = arith.select %lt3A_278, %get3A_273, %broadcast_in_dim3A_287 : vector<16xi1>, vector<16xi32>
        %swap3A_289 = arith.constant 64 : index
        %swap3A_290 = tpu.vector_load %arg10[%swap3A_289] {strides = array<i32>} : memref<128xi32, #tpu.memory_space<vmem>>, vector<16xi32>,
        tpu.vector_store %arg10[%swap3A_289], %select_n3A_285 {strides = array<i32>} : memref<128xi32, #tpu.memory_space<vmem>>, vector<16xi32>,
        %swap3A_291 = arith.constant 64 : index
        %swap3A_292 = tpu.vector_load %arg9[%swap3A_291] {strides = array<i32>} : memref<128xi32, #tpu.memory_space<vmem>>, vector<16xi32>,
        tpu.vector_store %arg9[%swap3A_291], %select_n3A_288 {strides = array<i32>} : memref<128xi32, #tpu.memory_space<vmem>>, vector<16xi32>,
        %get3A_293 = arith.constant 80 : index
        %get3A_294 = tpu.vector_load %arg8[%get3A_293] {strides = array<i32>} : memref<128xi32, #tpu.memory_space<vmem>>, vector<16xi32>,
        %get3A_295 = arith.constant 80 : index
        %get3A_296 = tpu.vector_load %arg9[%get3A_295] {strides = array<i32>} : memref<128xi32, #tpu.memory_space<vmem>>, vector<16xi32>,
        %add3A_297 = arith.constant 80 : i32
        %add3A_298 = vector.broadcast %add3A_297 : i32 to vector<16xi32>
        %add3A_299 = arith.addi %add3A_298, %iota3A : vector<16xi32>
        %lt3A_300 = vector.broadcast %sub3A_178 : i32 to vector<16xi32>
        %lt3A_301 = arith.cmpi slt, %add3A_299, %lt3A_300 : vector<16xi32>
        %and3A_302 = arith.constant 32767 : i32
        %and3A_303 = vector.broadcast %and3A_302 : i32 to vector<16xi32>
        %and3A_304 = arith.andi %get3A_294, %and3A_303 : vector<16xi32>
        %add3A_305 = arith.constant 32768 : i32
        %add3A_306 = vector.broadcast %add3A_305 : i32 to vector<16xi32>
        %add3A_307 = arith.addi %add3A_306, %iota3A : vector<16xi32>
        %select_n3A_308 = arith.select %lt3A_301, %and3A_304, %add3A_307 : vector<16xi1>, vector<16xi32>
        %jit3A_309 = arith.constant 0 : i32
        %broadcast_in_dim3A_310 = vector.broadcast %jit3A_309 : i32 to vector<16xi32>
        %select_n3A_311 = arith.select %lt3A_301, %get3A_296, %broadcast_in_dim3A_310 : vector<16xi1>, vector<16xi32>
        %swap3A_312 = arith.constant 80 : index
        %swap3A_313 = tpu.vector_load %arg10[%swap3A_312] {strides = array<i32>} : memref<128xi32, #tpu.memory_space<vmem>>, vector<16xi32>,
        tpu.vector_store %arg10[%swap3A_312], %select_n3A_308 {strides = array<i32>} : memref<128xi32, #tpu.memory_space<vmem>>, vector<16xi32>,
        %swap3A_314 = arith.constant 80 : index
        %swap3A_315 = tpu.vector_load %arg9[%swap3A_314] {strides = array<i32>} : memref<128xi32, #tpu.memory_space<vmem>>, vector<16xi32>,
        tpu.vector_store %arg9[%swap3A_314], %select_n3A_311 {strides = array<i32>} : memref<128xi32, #tpu.memory_space<vmem>>, vector<16xi32>,
        %get3A_316 = arith.constant 96 : index
        %get3A_317 = tpu.vector_load %arg8[%get3A_316] {strides = array<i32>} : memref<128xi32, #tpu.memory_space<vmem>>, vector<16xi32>,
        %get3A_318 = arith.constant 96 : index
        %get3A_319 = tpu.vector_load %arg9[%get3A_318] {strides = array<i32>} : memref<128xi32, #tpu.memory_space<vmem>>, vector<16xi32>,
        %add3A_320 = arith.constant 96 : i32
        %add3A_321 = vector.broadcast %add3A_320 : i32 to vector<16xi32>
        %add3A_322 = arith.addi %add3A_321, %iota3A : vector<16xi32>
        %lt3A_323 = vector.broadcast %sub3A_178 : i32 to vector<16xi32>
        %lt3A_324 = arith.cmpi slt, %add3A_322, %lt3A_323 : vector<16xi32>
        %and3A_325 = arith.constant 32767 : i32
        %and3A_326 = vector.broadcast %and3A_325 : i32 to vector<16xi32>
        %and3A_327 = arith.andi %get3A_317, %and3A_326 : vector<16xi32>
        %add3A_328 = arith.constant 32768 : i32
        %add3A_329 = vector.broadcast %add3A_328 : i32 to vector<16xi32>
        %add3A_330 = arith.addi %add3A_329, %iota3A : vector<16xi32>
        %select_n3A_331 = arith.select %lt3A_324, %and3A_327, %add3A_330 : vector<16xi1>, vector<16xi32>
        %jit3A_332 = arith.constant 0 : i32
        %broadcast_in_dim3A_333 = vector.broadcast %jit3A_332 : i32 to vector<16xi32>
        %select_n3A_334 = arith.select %lt3A_324, %get3A_319, %broadcast_in_dim3A_333 : vector<16xi1>, vector<16xi32>
        %swap3A_335 = arith.constant 96 : index
        %swap3A_336 = tpu.vector_load %arg10[%swap3A_335] {strides = array<i32>} : memref<128xi32, #tpu.memory_space<vmem>>, vector<16xi32>,
        tpu.vector_store %arg10[%swap3A_335], %select_n3A_331 {strides = array<i32>} : memref<128xi32, #tpu.memory_space<vmem>>, vector<16xi32>,
        %swap3A_337 = arith.constant 96 : index
        %swap3A_338 = tpu.vector_load %arg9[%swap3A_337] {strides = array<i32>} : memref<128xi32, #tpu.memory_space<vmem>>, vector<16xi32>,
        tpu.vector_store %arg9[%swap3A_337], %select_n3A_334 {strides = array<i32>} : memref<128xi32, #tpu.memory_space<vmem>>, vector<16xi32>,
        %get3A_339 = arith.constant 112 : index
        %get3A_340 = tpu.vector_load %arg8[%get3A_339] {strides = array<i32>} : memref<128xi32, #tpu.memory_space<vmem>>, vector<16xi32>,
        %get3A_341 = arith.constant 112 : index
        %get3A_342 = tpu.vector_load %arg9[%get3A_341] {strides = array<i32>} : memref<128xi32, #tpu.memory_space<vmem>>, vector<16xi32>,
        %add3A_343 = arith.constant 112 : i32
        %add3A_344 = vector.broadcast %add3A_343 : i32 to vector<16xi32>
        %add3A_345 = arith.addi %add3A_344, %iota3A : vector<16xi32>
        %lt3A_346 = vector.broadcast %sub3A_178 : i32 to vector<16xi32>
        %lt3A_347 = arith.cmpi slt, %add3A_345, %lt3A_346 : vector<16xi32>
        %and3A_348 = arith.constant 32767 : i32
        %and3A_349 = vector.broadcast %and3A_348 : i32 to vector<16xi32>
        %and3A_350 = arith.andi %get3A_340, %and3A_349 : vector<16xi32>
        %add3A_351 = arith.constant 32768 : i32
        %add3A_352 = vector.broadcast %add3A_351 : i32 to vector<16xi32>
        %add3A_353 = arith.addi %add3A_352, %iota3A : vector<16xi32>
        %select_n3A_354 = arith.select %lt3A_347, %and3A_350, %add3A_353 : vector<16xi1>, vector<16xi32>
        %jit3A_355 = arith.constant 0 : i32
        %broadcast_in_dim3A_356 = vector.broadcast %jit3A_355 : i32 to vector<16xi32>
        %select_n3A_357 = arith.select %lt3A_347, %get3A_342, %broadcast_in_dim3A_356 : vector<16xi1>, vector<16xi32>
        %swap3A_358 = arith.constant 112 : index
        %swap3A_359 = tpu.vector_load %arg10[%swap3A_358] {strides = array<i32>} : memref<128xi32, #tpu.memory_space<vmem>>, vector<16xi32>,
        tpu.vector_store %arg10[%swap3A_358], %select_n3A_354 {strides = array<i32>} : memref<128xi32, #tpu.memory_space<vmem>>, vector<16xi32>,
        %swap3A_360 = arith.constant 112 : index
        %swap3A_361 = tpu.vector_load %arg9[%swap3A_360] {strides = array<i32>} : memref<128xi32, #tpu.memory_space<vmem>>, vector<16xi32>,
        tpu.vector_store %arg9[%swap3A_360], %select_n3A_357 {strides = array<i32>} : memref<128xi32, #tpu.memory_space<vmem>>, vector<16xi32>,
        %dma_start3A = arith.constant 0 : i32
        %dma_start3A_362 = arith.constant 0 : i32
        %dma_start3A_363 = tpu.memref_slice %arg6[%dma_start3A, %dma_start3A_362] : memref<819200x32xf32, #tpu.memory_space<hbm>> -> memref<819200x32xf32, #tpu.memory_space<hbm>>
        tpu.enqueue_indirect_dma source(%dma_start3A_363 : memref<819200x32xf32, #tpu.memory_space<hbm>>) target(%arg11 : memref<128x32xf32, #tpu.memory_space<vmem>>) offsets(%arg9 : memref<128xi32, #tpu.memory_space<vmem>>) semaphore(%arg16 : memref<!tpu.dma_semaphore, #tpu.memory_space<semaphore_mem>>)
        %dma_wait3A = arith.constant 0 : i32
        %dma_wait3A_364 = arith.constant 0 : i32
        %dma_wait3A_365 = tpu.memref_slice %arg6[%dma_wait3A, %dma_wait3A_364] : memref<819200x32xf32, #tpu.memory_space<hbm>> -> memref<819200x32xf32, #tpu.memory_space<hbm>>
        tpu.wait_indirect_dma semaphore(%arg16 : memref<!tpu.dma_semaphore, #tpu.memory_space<semaphore_mem>>) src(%dma_wait3A_365 : memref<819200x32xf32, #tpu.memory_space<hbm>>) dst(%arg11 : memref<128x32xf32, #tpu.memory_space<vmem>>)
        "tpu.region"() ({
          %run_scoped3A = tpu.sem_alloc : memref<!tpu.dma_semaphore, #tpu.memory_space<semaphore_mem>>
          %dma_start3A_366 = arith.constant 0 : i32
          %dma_start3A_367 = arith.constant 0 : i32
          %dma_start3A_368 = tpu.memref_slice %arg15[%dma_start3A_366, %dma_start3A_367] : memref<32784x32xf32, #tpu.memory_space<vmem_shared>> -> memref<32784x32xf32, #tpu.memory_space<vmem_shared>>
          tpu.enqueue_indirect_dma source(%arg11 : memref<128x32xf32, #tpu.memory_space<vmem>>) target(%dma_start3A_368 : memref<32784x32xf32, #tpu.memory_space<vmem_shared>>) offsets(%arg10 : memref<128xi32, #tpu.memory_space<vmem>>) semaphore(%run_scoped3A : memref<!tpu.dma_semaphore, #tpu.memory_space<semaphore_mem>>) {add = true}
          %dma_wait3A_369 = arith.constant 0 : i32
          %dma_wait3A_370 = arith.constant 0 : i32
          %dma_wait3A_371 = tpu.memref_slice %arg15[%dma_wait3A_369, %dma_wait3A_370] : memref<32784x32xf32, #tpu.memory_space<vmem_shared>> -> memref<32784x32xf32, #tpu.memory_space<vmem_shared>>
          tpu.wait_indirect_dma semaphore(%run_scoped3A : memref<!tpu.dma_semaphore, #tpu.memory_space<semaphore_mem>>) src(%arg11 : memref<128x32xf32, #tpu.memory_space<vmem>>) dst(%dma_wait3A_371 : memref<32784x32xf32, #tpu.memory_space<vmem_shared>>)
          tpu.yield
        }) : () -> ()
      }
      %mul3A_83 = arith.constant 2 : i32
      %mul3A_84 = arith.muli %mul3A_83, %arg1 : i32
      %add3A_85 = arith.constant 1 : i32
      %add3A_86 = arith.addi %mul3A_84, %add3A_85 : i32
      %mul3A_87 = arith.constant 32 : i32
      %mul3A_88 = arith.muli %add3A_86, %mul3A_87 : i32
      %add3A_89 = arith.addi %mul3A_88, %add3A_15 : i32
      %and3A_90 = arith.constant 15 : i32
      %and3A_91 = arith.andi %add3A_89, %and3A_90 : i32
      %sub3A_92 = arith.subi %add3A_89, %and3A_91 : i32
      %multiple_of3A_93 = tpu.assume_multiple %sub3A_92, 16 : i32
      %get3A_94 = arith.index_cast %multiple_of3A_93 : i32 to index
      %get3A_95 = tpu.vector_load %arg12[%get3A_94] {strides = array<i32>} : memref<1024xi32, #tpu.memory_space<vmem>>, vector<16xi32>,
      %iota3A_96 = tpu.iota {dimensions = array<i32: 0>} : vector<16xi32>
      %eq3A_97 = vector.broadcast %and3A_91 : i32 to vector<16xi32>
      %eq3A_98 = arith.cmpi eq, %iota3A_96, %eq3A_97 : vector<16xi32>
      %jit3A_99 = arith.constant 0 : i32
      %broadcast_in_dim3A_100 = vector.broadcast %jit3A_99 : i32 to vector<16xi32>
      %select_n3A_101 = arith.select %eq3A_98, %get3A_95, %broadcast_in_dim3A_100 : vector<16xi1>, vector<16xi32>
      %reduce_sum3A_102 = arith.constant true
      %reduce_sum3A_103 = vector.broadcast %reduce_sum3A_102 : i1 to vector<16xi1>
      %reduce_sum3A_104 = tpu.scan <sum>, %select_n3A_101 masked %reduce_sum3A_103 : vector<16xi32>, vector<16xi1> -> vector<16xi32>
      %reduce_sum3A_105 = vector.extract %reduce_sum3A_104[15] : i32 from vector<16xi32>
      %and3A_106 = arith.constant 15 : i32
      %and3A_107 = arith.andi %add3A_89, %and3A_106 : i32
      %sub3A_108 = arith.subi %add3A_89, %and3A_107 : i32
      %multiple_of3A_109 = tpu.assume_multiple %sub3A_108, 16 : i32
      %get3A_110 = arith.index_cast %multiple_of3A_109 : i32 to index
      %get3A_111 = tpu.vector_load %arg13[%get3A_110] {strides = array<i32>} : memref<1024xi32, #tpu.memory_space<vmem>>, vector<16xi32>,
      %iota3A_112 = tpu.iota {dimensions = array<i32: 0>} : vector<16xi32>
      %eq3A_113 = vector.broadcast %and3A_107 : i32 to vector<16xi32>
      %eq3A_114 = arith.cmpi eq, %iota3A_112, %eq3A_113 : vector<16xi32>
      %jit3A_115 = arith.constant 0 : i32
      %broadcast_in_dim3A_116 = vector.broadcast %jit3A_115 : i32 to vector<16xi32>
      %select_n3A_117 = arith.select %eq3A_114, %get3A_111, %broadcast_in_dim3A_116 : vector<16xi1>, vector<16xi32>
      %reduce_sum3A_118 = arith.constant true
      %reduce_sum3A_119 = vector.broadcast %reduce_sum3A_118 : i1 to vector<16xi1>
      %reduce_sum3A_120 = tpu.scan <sum>, %select_n3A_117 masked %reduce_sum3A_119 : vector<16xi32>, vector<16xi1> -> vector<16xi32>
      %reduce_sum3A_121 = vector.extract %reduce_sum3A_120[15] : i32 from vector<16xi32>
      %mul3A_122 = arith.constant 25856 : i32
      %mul3A_123 = arith.muli %add3A_86, %mul3A_122 : i32
      %add3A_124 = arith.addi %mul3A_123, %reduce_sum3A_121 : i32
      %multiple_of3A_125 = tpu.assume_multiple %add3A_124, 8 : i32
      %add3A_126 = arith.constant 127 : i32
      %add3A_127 = arith.addi %reduce_sum3A_105, %add3A_126 : i32
      %shift_right_logical3A_128 = arith.constant 7 : i32
      %shift_right_logical3A_129 = arith.shrui %add3A_127, %shift_right_logical3A_128 : i32
      %sub3A_130 = arith.constant 0 : i32
      %sub3A_131 = arith.subi %shift_right_logical3A_129, %sub3A_130 : i32
      %sub3A_132 = arith.constant 1 : i32
      %sub3A_133 = arith.constant 1 : i32
      %sub3A_134 = arith.subi %sub3A_132, %sub3A_133 : i32
      %add3A_135 = arith.addi %sub3A_131, %sub3A_134 : i32
      %div3A_136 = arith.constant 1 : i32
      %div3A_137 = arith.divsi %add3A_135, %div3A_136 : i32
      %while3A_138 = arith.constant 1 : i32
      %while3A_139 = arith.constant 0 : i32
      %while3A_140 = arith.constant 0 : i32
      %while3A_141 = arith.subi %div3A_137, %while3A_140 : i32
      %while3A_142 = arith.addi %while3A_140, %while3A_141 : i32
      %while3A_143 = arith.constant 1 : i32
      %while3A_144 = arith.divsi %while3A_141, %while3A_143 : i32
      %while3A_145 = arith.muli %while3A_144, %while3A_143 : i32
      %while3A_146 = arith.addi %while3A_140, %while3A_145 : i32
      %while3A_147 = arith.constant 1 : i32
      scf.for %while3A_169 = %while3A_140 to %while3A_146 step %while3A_147  : i32 {
        %mul3A_170 = arith.muli %while3A_169, %while3A_138 : i32
        %add3A_171 = arith.addi %while3A_139, %mul3A_170 : i32
        %mul3A_172 = arith.constant 128 : i32
        %mul3A_173 = arith.muli %add3A_171, %mul3A_172 : i32
        %add3A_174 = arith.addi %multiple_of3A_125, %mul3A_173 : i32
        %multiple_of3A_175 = tpu.assume_multiple %add3A_174, 8 : i32
        "tpu.region"() ({
          %run_scoped3A = tpu.sem_alloc : memref<!tpu.dma_semaphore, #tpu.memory_space<semaphore_mem>>
          %dma_start3A_366 = tpu.memref_slice %arg2[%multiple_of3A_175] : memref<827520xi32, #tpu.memory_space<hbm>> -> memref<128xi32, #tpu.memory_space<hbm>>
          %dma_start3A_367 = tpu.memref_slice %arg2[%multiple_of3A_175] : memref<827520xi32, #tpu.memory_space<hbm>> -> memref<128xi32, #tpu.memory_space<hbm>>
          tpu.enqueue_dma source(%dma_start3A_367 : memref<128xi32, #tpu.memory_space<hbm>>) target(%arg8 : memref<128xi32, #tpu.memory_space<vmem>>) target_semaphore(%run_scoped3A : memref<!tpu.dma_semaphore, #tpu.memory_space<semaphore_mem>>)
          %dma_wait3A_368 = tpu.memref_slice %arg2[%multiple_of3A_175] : memref<827520xi32, #tpu.memory_space<hbm>> -> memref<128xi32, #tpu.memory_space<hbm>>
          %dma_wait3A_369 = tpu.memref_slice %arg2[%multiple_of3A_175] : memref<827520xi32, #tpu.memory_space<hbm>> -> memref<128xi32, #tpu.memory_space<hbm>>
          tpu.wait_dma2 semaphore(%run_scoped3A : memref<!tpu.dma_semaphore, #tpu.memory_space<semaphore_mem>>) src(%dma_wait3A_369 : memref<128xi32, #tpu.memory_space<hbm>>) dst(%arg8 : memref<128xi32, #tpu.memory_space<vmem>>)
          tpu.yield
        }) : () -> ()
        "tpu.region"() ({
          %run_scoped3A = tpu.sem_alloc : memref<!tpu.dma_semaphore, #tpu.memory_space<semaphore_mem>>
          %dma_start3A_366 = tpu.memref_slice %arg3[%multiple_of3A_175] : memref<827520xi32, #tpu.memory_space<hbm>> -> memref<128xi32, #tpu.memory_space<hbm>>
          %dma_start3A_367 = tpu.memref_slice %arg3[%multiple_of3A_175] : memref<827520xi32, #tpu.memory_space<hbm>> -> memref<128xi32, #tpu.memory_space<hbm>>
          tpu.enqueue_dma source(%dma_start3A_367 : memref<128xi32, #tpu.memory_space<hbm>>) target(%arg9 : memref<128xi32, #tpu.memory_space<vmem>>) target_semaphore(%run_scoped3A : memref<!tpu.dma_semaphore, #tpu.memory_space<semaphore_mem>>)
          %dma_wait3A_368 = tpu.memref_slice %arg3[%multiple_of3A_175] : memref<827520xi32, #tpu.memory_space<hbm>> -> memref<128xi32, #tpu.memory_space<hbm>>
          %dma_wait3A_369 = tpu.memref_slice %arg3[%multiple_of3A_175] : memref<827520xi32, #tpu.memory_space<hbm>> -> memref<128xi32, #tpu.memory_space<hbm>>
          tpu.wait_dma2 semaphore(%run_scoped3A : memref<!tpu.dma_semaphore, #tpu.memory_space<semaphore_mem>>) src(%dma_wait3A_369 : memref<128xi32, #tpu.memory_space<hbm>>) dst(%arg9 : memref<128xi32, #tpu.memory_space<vmem>>)
          tpu.yield
        }) : () -> ()
        %mul3A_176 = arith.constant 128 : i32
        %mul3A_177 = arith.muli %add3A_171, %mul3A_176 : i32
        %sub3A_178 = arith.subi %reduce_sum3A_105, %mul3A_177 : i32
        %get3A_179 = arith.constant 0 : index
        %get3A_180 = tpu.vector_load %arg8[%get3A_179] {strides = array<i32>} : memref<128xi32, #tpu.memory_space<vmem>>, vector<16xi32>,
        %get3A_181 = arith.constant 0 : index
        %get3A_182 = tpu.vector_load %arg9[%get3A_181] {strides = array<i32>} : memref<128xi32, #tpu.memory_space<vmem>>, vector<16xi32>,
        %add3A_183 = arith.constant 0 : i32
        %add3A_184 = vector.broadcast %add3A_183 : i32 to vector<16xi32>
        %add3A_185 = arith.addi %add3A_184, %iota3A : vector<16xi32>
        %lt3A_186 = vector.broadcast %sub3A_178 : i32 to vector<16xi32>
        %lt3A_187 = arith.cmpi slt, %add3A_185, %lt3A_186 : vector<16xi32>
        %and3A_188 = arith.constant 32767 : i32
        %and3A_189 = vector.broadcast %and3A_188 : i32 to vector<16xi32>
        %and3A_190 = arith.andi %get3A_180, %and3A_189 : vector<16xi32>
        %add3A_191 = arith.constant 32768 : i32
        %add3A_192 = vector.broadcast %add3A_191 : i32 to vector<16xi32>
        %add3A_193 = arith.addi %add3A_192, %iota3A : vector<16xi32>
        %select_n3A_194 = arith.select %lt3A_187, %and3A_190, %add3A_193 : vector<16xi1>, vector<16xi32>
        %jit3A_195 = arith.constant 0 : i32
        %broadcast_in_dim3A_196 = vector.broadcast %jit3A_195 : i32 to vector<16xi32>
        %select_n3A_197 = arith.select %lt3A_187, %get3A_182, %broadcast_in_dim3A_196 : vector<16xi1>, vector<16xi32>
        %swap3A = arith.constant 0 : index
        %swap3A_198 = tpu.vector_load %arg10[%swap3A] {strides = array<i32>} : memref<128xi32, #tpu.memory_space<vmem>>, vector<16xi32>,
        tpu.vector_store %arg10[%swap3A], %select_n3A_194 {strides = array<i32>} : memref<128xi32, #tpu.memory_space<vmem>>, vector<16xi32>,
        %swap3A_199 = arith.constant 0 : index
        %swap3A_200 = tpu.vector_load %arg9[%swap3A_199] {strides = array<i32>} : memref<128xi32, #tpu.memory_space<vmem>>, vector<16xi32>,
        tpu.vector_store %arg9[%swap3A_199], %select_n3A_197 {strides = array<i32>} : memref<128xi32, #tpu.memory_space<vmem>>, vector<16xi32>,
        %get3A_201 = arith.constant 16 : index
        %get3A_202 = tpu.vector_load %arg8[%get3A_201] {strides = array<i32>} : memref<128xi32, #tpu.memory_space<vmem>>, vector<16xi32>,
        %get3A_203 = arith.constant 16 : index
        %get3A_204 = tpu.vector_load %arg9[%get3A_203] {strides = array<i32>} : memref<128xi32, #tpu.memory_space<vmem>>, vector<16xi32>,
        %add3A_205 = arith.constant 16 : i32
        %add3A_206 = vector.broadcast %add3A_205 : i32 to vector<16xi32>
        %add3A_207 = arith.addi %add3A_206, %iota3A : vector<16xi32>
        %lt3A_208 = vector.broadcast %sub3A_178 : i32 to vector<16xi32>
        %lt3A_209 = arith.cmpi slt, %add3A_207, %lt3A_208 : vector<16xi32>
        %and3A_210 = arith.constant 32767 : i32
        %and3A_211 = vector.broadcast %and3A_210 : i32 to vector<16xi32>
        %and3A_212 = arith.andi %get3A_202, %and3A_211 : vector<16xi32>
        %add3A_213 = arith.constant 32768 : i32
        %add3A_214 = vector.broadcast %add3A_213 : i32 to vector<16xi32>
        %add3A_215 = arith.addi %add3A_214, %iota3A : vector<16xi32>
        %select_n3A_216 = arith.select %lt3A_209, %and3A_212, %add3A_215 : vector<16xi1>, vector<16xi32>
        %jit3A_217 = arith.constant 0 : i32
        %broadcast_in_dim3A_218 = vector.broadcast %jit3A_217 : i32 to vector<16xi32>
        %select_n3A_219 = arith.select %lt3A_209, %get3A_204, %broadcast_in_dim3A_218 : vector<16xi1>, vector<16xi32>
        %swap3A_220 = arith.constant 16 : index
        %swap3A_221 = tpu.vector_load %arg10[%swap3A_220] {strides = array<i32>} : memref<128xi32, #tpu.memory_space<vmem>>, vector<16xi32>,
        tpu.vector_store %arg10[%swap3A_220], %select_n3A_216 {strides = array<i32>} : memref<128xi32, #tpu.memory_space<vmem>>, vector<16xi32>,
        %swap3A_222 = arith.constant 16 : index
        %swap3A_223 = tpu.vector_load %arg9[%swap3A_222] {strides = array<i32>} : memref<128xi32, #tpu.memory_space<vmem>>, vector<16xi32>,
        tpu.vector_store %arg9[%swap3A_222], %select_n3A_219 {strides = array<i32>} : memref<128xi32, #tpu.memory_space<vmem>>, vector<16xi32>,
        %get3A_224 = arith.constant 32 : index
        %get3A_225 = tpu.vector_load %arg8[%get3A_224] {strides = array<i32>} : memref<128xi32, #tpu.memory_space<vmem>>, vector<16xi32>,
        %get3A_226 = arith.constant 32 : index
        %get3A_227 = tpu.vector_load %arg9[%get3A_226] {strides = array<i32>} : memref<128xi32, #tpu.memory_space<vmem>>, vector<16xi32>,
        %add3A_228 = arith.constant 32 : i32
        %add3A_229 = vector.broadcast %add3A_228 : i32 to vector<16xi32>
        %add3A_230 = arith.addi %add3A_229, %iota3A : vector<16xi32>
        %lt3A_231 = vector.broadcast %sub3A_178 : i32 to vector<16xi32>
        %lt3A_232 = arith.cmpi slt, %add3A_230, %lt3A_231 : vector<16xi32>
        %and3A_233 = arith.constant 32767 : i32
        %and3A_234 = vector.broadcast %and3A_233 : i32 to vector<16xi32>
        %and3A_235 = arith.andi %get3A_225, %and3A_234 : vector<16xi32>
        %add3A_236 = arith.constant 32768 : i32
        %add3A_237 = vector.broadcast %add3A_236 : i32 to vector<16xi32>
        %add3A_238 = arith.addi %add3A_237, %iota3A : vector<16xi32>
        %select_n3A_239 = arith.select %lt3A_232, %and3A_235, %add3A_238 : vector<16xi1>, vector<16xi32>
        %jit3A_240 = arith.constant 0 : i32
        %broadcast_in_dim3A_241 = vector.broadcast %jit3A_240 : i32 to vector<16xi32>
        %select_n3A_242 = arith.select %lt3A_232, %get3A_227, %broadcast_in_dim3A_241 : vector<16xi1>, vector<16xi32>
        %swap3A_243 = arith.constant 32 : index
        %swap3A_244 = tpu.vector_load %arg10[%swap3A_243] {strides = array<i32>} : memref<128xi32, #tpu.memory_space<vmem>>, vector<16xi32>,
        tpu.vector_store %arg10[%swap3A_243], %select_n3A_239 {strides = array<i32>} : memref<128xi32, #tpu.memory_space<vmem>>, vector<16xi32>,
        %swap3A_245 = arith.constant 32 : index
        %swap3A_246 = tpu.vector_load %arg9[%swap3A_245] {strides = array<i32>} : memref<128xi32, #tpu.memory_space<vmem>>, vector<16xi32>,
        tpu.vector_store %arg9[%swap3A_245], %select_n3A_242 {strides = array<i32>} : memref<128xi32, #tpu.memory_space<vmem>>, vector<16xi32>,
        %get3A_247 = arith.constant 48 : index
        %get3A_248 = tpu.vector_load %arg8[%get3A_247] {strides = array<i32>} : memref<128xi32, #tpu.memory_space<vmem>>, vector<16xi32>,
        %get3A_249 = arith.constant 48 : index
        %get3A_250 = tpu.vector_load %arg9[%get3A_249] {strides = array<i32>} : memref<128xi32, #tpu.memory_space<vmem>>, vector<16xi32>,
        %add3A_251 = arith.constant 48 : i32
        %add3A_252 = vector.broadcast %add3A_251 : i32 to vector<16xi32>
        %add3A_253 = arith.addi %add3A_252, %iota3A : vector<16xi32>
        %lt3A_254 = vector.broadcast %sub3A_178 : i32 to vector<16xi32>
        %lt3A_255 = arith.cmpi slt, %add3A_253, %lt3A_254 : vector<16xi32>
        %and3A_256 = arith.constant 32767 : i32
        %and3A_257 = vector.broadcast %and3A_256 : i32 to vector<16xi32>
        %and3A_258 = arith.andi %get3A_248, %and3A_257 : vector<16xi32>
        %add3A_259 = arith.constant 32768 : i32
        %add3A_260 = vector.broadcast %add3A_259 : i32 to vector<16xi32>
        %add3A_261 = arith.addi %add3A_260, %iota3A : vector<16xi32>
        %select_n3A_262 = arith.select %lt3A_255, %and3A_258, %add3A_261 : vector<16xi1>, vector<16xi32>
        %jit3A_263 = arith.constant 0 : i32
        %broadcast_in_dim3A_264 = vector.broadcast %jit3A_263 : i32 to vector<16xi32>
        %select_n3A_265 = arith.select %lt3A_255, %get3A_250, %broadcast_in_dim3A_264 : vector<16xi1>, vector<16xi32>
        %swap3A_266 = arith.constant 48 : index
        %swap3A_267 = tpu.vector_load %arg10[%swap3A_266] {strides = array<i32>} : memref<128xi32, #tpu.memory_space<vmem>>, vector<16xi32>,
        tpu.vector_store %arg10[%swap3A_266], %select_n3A_262 {strides = array<i32>} : memref<128xi32, #tpu.memory_space<vmem>>, vector<16xi32>,
        %swap3A_268 = arith.constant 48 : index
        %swap3A_269 = tpu.vector_load %arg9[%swap3A_268] {strides = array<i32>} : memref<128xi32, #tpu.memory_space<vmem>>, vector<16xi32>,
        tpu.vector_store %arg9[%swap3A_268], %select_n3A_265 {strides = array<i32>} : memref<128xi32, #tpu.memory_space<vmem>>, vector<16xi32>,
        %get3A_270 = arith.constant 64 : index
        %get3A_271 = tpu.vector_load %arg8[%get3A_270] {strides = array<i32>} : memref<128xi32, #tpu.memory_space<vmem>>, vector<16xi32>,
        %get3A_272 = arith.constant 64 : index
        %get3A_273 = tpu.vector_load %arg9[%get3A_272] {strides = array<i32>} : memref<128xi32, #tpu.memory_space<vmem>>, vector<16xi32>,
        %add3A_274 = arith.constant 64 : i32
        %add3A_275 = vector.broadcast %add3A_274 : i32 to vector<16xi32>
        %add3A_276 = arith.addi %add3A_275, %iota3A : vector<16xi32>
        %lt3A_277 = vector.broadcast %sub3A_178 : i32 to vector<16xi32>
        %lt3A_278 = arith.cmpi slt, %add3A_276, %lt3A_277 : vector<16xi32>
        %and3A_279 = arith.constant 32767 : i32
        %and3A_280 = vector.broadcast %and3A_279 : i32 to vector<16xi32>
        %and3A_281 = arith.andi %get3A_271, %and3A_280 : vector<16xi32>
        %add3A_282 = arith.constant 32768 : i32
        %add3A_283 = vector.broadcast %add3A_282 : i32 to vector<16xi32>
        %add3A_284 = arith.addi %add3A_283, %iota3A : vector<16xi32>
        %select_n3A_285 = arith.select %lt3A_278, %and3A_281, %add3A_284 : vector<16xi1>, vector<16xi32>
        %jit3A_286 = arith.constant 0 : i32
        %broadcast_in_dim3A_287 = vector.broadcast %jit3A_286 : i32 to vector<16xi32>
        %select_n3A_288 = arith.select %lt3A_278, %get3A_273, %broadcast_in_dim3A_287 : vector<16xi1>, vector<16xi32>
        %swap3A_289 = arith.constant 64 : index
        %swap3A_290 = tpu.vector_load %arg10[%swap3A_289] {strides = array<i32>} : memref<128xi32, #tpu.memory_space<vmem>>, vector<16xi32>,
        tpu.vector_store %arg10[%swap3A_289], %select_n3A_285 {strides = array<i32>} : memref<128xi32, #tpu.memory_space<vmem>>, vector<16xi32>,
        %swap3A_291 = arith.constant 64 : index
        %swap3A_292 = tpu.vector_load %arg9[%swap3A_291] {strides = array<i32>} : memref<128xi32, #tpu.memory_space<vmem>>, vector<16xi32>,
        tpu.vector_store %arg9[%swap3A_291], %select_n3A_288 {strides = array<i32>} : memref<128xi32, #tpu.memory_space<vmem>>, vector<16xi32>,
        %get3A_293 = arith.constant 80 : index
        %get3A_294 = tpu.vector_load %arg8[%get3A_293] {strides = array<i32>} : memref<128xi32, #tpu.memory_space<vmem>>, vector<16xi32>,
        %get3A_295 = arith.constant 80 : index
        %get3A_296 = tpu.vector_load %arg9[%get3A_295] {strides = array<i32>} : memref<128xi32, #tpu.memory_space<vmem>>, vector<16xi32>,
        %add3A_297 = arith.constant 80 : i32
        %add3A_298 = vector.broadcast %add3A_297 : i32 to vector<16xi32>
        %add3A_299 = arith.addi %add3A_298, %iota3A : vector<16xi32>
        %lt3A_300 = vector.broadcast %sub3A_178 : i32 to vector<16xi32>
        %lt3A_301 = arith.cmpi slt, %add3A_299, %lt3A_300 : vector<16xi32>
        %and3A_302 = arith.constant 32767 : i32
        %and3A_303 = vector.broadcast %and3A_302 : i32 to vector<16xi32>
        %and3A_304 = arith.andi %get3A_294, %and3A_303 : vector<16xi32>
        %add3A_305 = arith.constant 32768 : i32
        %add3A_306 = vector.broadcast %add3A_305 : i32 to vector<16xi32>
        %add3A_307 = arith.addi %add3A_306, %iota3A : vector<16xi32>
        %select_n3A_308 = arith.select %lt3A_301, %and3A_304, %add3A_307 : vector<16xi1>, vector<16xi32>
        %jit3A_309 = arith.constant 0 : i32
        %broadcast_in_dim3A_310 = vector.broadcast %jit3A_309 : i32 to vector<16xi32>
        %select_n3A_311 = arith.select %lt3A_301, %get3A_296, %broadcast_in_dim3A_310 : vector<16xi1>, vector<16xi32>
        %swap3A_312 = arith.constant 80 : index
        %swap3A_313 = tpu.vector_load %arg10[%swap3A_312] {strides = array<i32>} : memref<128xi32, #tpu.memory_space<vmem>>, vector<16xi32>,
        tpu.vector_store %arg10[%swap3A_312], %select_n3A_308 {strides = array<i32>} : memref<128xi32, #tpu.memory_space<vmem>>, vector<16xi32>,
        %swap3A_314 = arith.constant 80 : index
        %swap3A_315 = tpu.vector_load %arg9[%swap3A_314] {strides = array<i32>} : memref<128xi32, #tpu.memory_space<vmem>>, vector<16xi32>,
        tpu.vector_store %arg9[%swap3A_314], %select_n3A_311 {strides = array<i32>} : memref<128xi32, #tpu.memory_space<vmem>>, vector<16xi32>,
        %get3A_316 = arith.constant 96 : index
        %get3A_317 = tpu.vector_load %arg8[%get3A_316] {strides = array<i32>} : memref<128xi32, #tpu.memory_space<vmem>>, vector<16xi32>,
        %get3A_318 = arith.constant 96 : index
        %get3A_319 = tpu.vector_load %arg9[%get3A_318] {strides = array<i32>} : memref<128xi32, #tpu.memory_space<vmem>>, vector<16xi32>,
        %add3A_320 = arith.constant 96 : i32
        %add3A_321 = vector.broadcast %add3A_320 : i32 to vector<16xi32>
        %add3A_322 = arith.addi %add3A_321, %iota3A : vector<16xi32>
        %lt3A_323 = vector.broadcast %sub3A_178 : i32 to vector<16xi32>
        %lt3A_324 = arith.cmpi slt, %add3A_322, %lt3A_323 : vector<16xi32>
        %and3A_325 = arith.constant 32767 : i32
        %and3A_326 = vector.broadcast %and3A_325 : i32 to vector<16xi32>
        %and3A_327 = arith.andi %get3A_317, %and3A_326 : vector<16xi32>
        %add3A_328 = arith.constant 32768 : i32
        %add3A_329 = vector.broadcast %add3A_328 : i32 to vector<16xi32>
        %add3A_330 = arith.addi %add3A_329, %iota3A : vector<16xi32>
        %select_n3A_331 = arith.select %lt3A_324, %and3A_327, %add3A_330 : vector<16xi1>, vector<16xi32>
        %jit3A_332 = arith.constant 0 : i32
        %broadcast_in_dim3A_333 = vector.broadcast %jit3A_332 : i32 to vector<16xi32>
        %select_n3A_334 = arith.select %lt3A_324, %get3A_319, %broadcast_in_dim3A_333 : vector<16xi1>, vector<16xi32>
        %swap3A_335 = arith.constant 96 : index
        %swap3A_336 = tpu.vector_load %arg10[%swap3A_335] {strides = array<i32>} : memref<128xi32, #tpu.memory_space<vmem>>, vector<16xi32>,
        tpu.vector_store %arg10[%swap3A_335], %select_n3A_331 {strides = array<i32>} : memref<128xi32, #tpu.memory_space<vmem>>, vector<16xi32>,
        %swap3A_337 = arith.constant 96 : index
        %swap3A_338 = tpu.vector_load %arg9[%swap3A_337] {strides = array<i32>} : memref<128xi32, #tpu.memory_space<vmem>>, vector<16xi32>,
        tpu.vector_store %arg9[%swap3A_337], %select_n3A_334 {strides = array<i32>} : memref<128xi32, #tpu.memory_space<vmem>>, vector<16xi32>,
        %get3A_339 = arith.constant 112 : index
        %get3A_340 = tpu.vector_load %arg8[%get3A_339] {strides = array<i32>} : memref<128xi32, #tpu.memory_space<vmem>>, vector<16xi32>,
        %get3A_341 = arith.constant 112 : index
        %get3A_342 = tpu.vector_load %arg9[%get3A_341] {strides = array<i32>} : memref<128xi32, #tpu.memory_space<vmem>>, vector<16xi32>,
        %add3A_343 = arith.constant 112 : i32
        %add3A_344 = vector.broadcast %add3A_343 : i32 to vector<16xi32>
        %add3A_345 = arith.addi %add3A_344, %iota3A : vector<16xi32>
        %lt3A_346 = vector.broadcast %sub3A_178 : i32 to vector<16xi32>
        %lt3A_347 = arith.cmpi slt, %add3A_345, %lt3A_346 : vector<16xi32>
        %and3A_348 = arith.constant 32767 : i32
        %and3A_349 = vector.broadcast %and3A_348 : i32 to vector<16xi32>
        %and3A_350 = arith.andi %get3A_340, %and3A_349 : vector<16xi32>
        %add3A_351 = arith.constant 32768 : i32
        %add3A_352 = vector.broadcast %add3A_351 : i32 to vector<16xi32>
        %add3A_353 = arith.addi %add3A_352, %iota3A : vector<16xi32>
        %select_n3A_354 = arith.select %lt3A_347, %and3A_350, %add3A_353 : vector<16xi1>, vector<16xi32>
        %jit3A_355 = arith.constant 0 : i32
        %broadcast_in_dim3A_356 = vector.broadcast %jit3A_355 : i32 to vector<16xi32>
        %select_n3A_357 = arith.select %lt3A_347, %get3A_342, %broadcast_in_dim3A_356 : vector<16xi1>, vector<16xi32>
        %swap3A_358 = arith.constant 112 : index
        %swap3A_359 = tpu.vector_load %arg10[%swap3A_358] {strides = array<i32>} : memref<128xi32, #tpu.memory_space<vmem>>, vector<16xi32>,
        tpu.vector_store %arg10[%swap3A_358], %select_n3A_354 {strides = array<i32>} : memref<128xi32, #tpu.memory_space<vmem>>, vector<16xi32>,
        %swap3A_360 = arith.constant 112 : index
        %swap3A_361 = tpu.vector_load %arg9[%swap3A_360] {strides = array<i32>} : memref<128xi32, #tpu.memory_space<vmem>>, vector<16xi32>,
        tpu.vector_store %arg9[%swap3A_360], %select_n3A_357 {strides = array<i32>} : memref<128xi32, #tpu.memory_space<vmem>>, vector<16xi32>,
        %dma_start3A = arith.constant 0 : i32
        %dma_start3A_362 = arith.constant 0 : i32
        %dma_start3A_363 = tpu.memref_slice %arg6[%dma_start3A, %dma_start3A_362] : memref<819200x32xf32, #tpu.memory_space<hbm>> -> memref<819200x32xf32, #tpu.memory_space<hbm>>
        tpu.enqueue_indirect_dma source(%dma_start3A_363 : memref<819200x32xf32, #tpu.memory_space<hbm>>) target(%arg11 : memref<128x32xf32, #tpu.memory_space<vmem>>) offsets(%arg9 : memref<128xi32, #tpu.memory_space<vmem>>) semaphore(%arg16 : memref<!tpu.dma_semaphore, #tpu.memory_space<semaphore_mem>>)
        %dma_wait3A = arith.constant 0 : i32
        %dma_wait3A_364 = arith.constant 0 : i32
        %dma_wait3A_365 = tpu.memref_slice %arg6[%dma_wait3A, %dma_wait3A_364] : memref<819200x32xf32, #tpu.memory_space<hbm>> -> memref<819200x32xf32, #tpu.memory_space<hbm>>
        tpu.wait_indirect_dma semaphore(%arg16 : memref<!tpu.dma_semaphore, #tpu.memory_space<semaphore_mem>>) src(%dma_wait3A_365 : memref<819200x32xf32, #tpu.memory_space<hbm>>) dst(%arg11 : memref<128x32xf32, #tpu.memory_space<vmem>>)
        "tpu.region"() ({
          %run_scoped3A = tpu.sem_alloc : memref<!tpu.dma_semaphore, #tpu.memory_space<semaphore_mem>>
          %dma_start3A_366 = arith.constant 0 : i32
          %dma_start3A_367 = arith.constant 0 : i32
          %dma_start3A_368 = tpu.memref_slice %arg15[%dma_start3A_366, %dma_start3A_367] : memref<32784x32xf32, #tpu.memory_space<vmem_shared>> -> memref<32784x32xf32, #tpu.memory_space<vmem_shared>>
          tpu.enqueue_indirect_dma source(%arg11 : memref<128x32xf32, #tpu.memory_space<vmem>>) target(%dma_start3A_368 : memref<32784x32xf32, #tpu.memory_space<vmem_shared>>) offsets(%arg10 : memref<128xi32, #tpu.memory_space<vmem>>) semaphore(%run_scoped3A : memref<!tpu.dma_semaphore, #tpu.memory_space<semaphore_mem>>) {add = true}
          %dma_wait3A_369 = arith.constant 0 : i32
          %dma_wait3A_370 = arith.constant 0 : i32
          %dma_wait3A_371 = tpu.memref_slice %arg15[%dma_wait3A_369, %dma_wait3A_370] : memref<32784x32xf32, #tpu.memory_space<vmem_shared>> -> memref<32784x32xf32, #tpu.memory_space<vmem_shared>>
          tpu.wait_indirect_dma semaphore(%run_scoped3A : memref<!tpu.dma_semaphore, #tpu.memory_space<semaphore_mem>>) src(%arg11 : memref<128x32xf32, #tpu.memory_space<vmem>>) dst(%dma_wait3A_371 : memref<32784x32xf32, #tpu.memory_space<vmem_shared>>)
          tpu.yield
        }) : () -> ()
      }
      %while3A_148 = arith.constant 1 : i32
      scf.for %while3A_169 = %while3A_146 to %while3A_142 step %while3A_148  : i32 {
        %mul3A_170 = arith.muli %while3A_169, %while3A_138 : i32
        %add3A_171 = arith.addi %while3A_139, %mul3A_170 : i32
        %mul3A_172 = arith.constant 128 : i32
        %mul3A_173 = arith.muli %add3A_171, %mul3A_172 : i32
        %add3A_174 = arith.addi %multiple_of3A_125, %mul3A_173 : i32
        %multiple_of3A_175 = tpu.assume_multiple %add3A_174, 8 : i32
        "tpu.region"() ({
          %run_scoped3A = tpu.sem_alloc : memref<!tpu.dma_semaphore, #tpu.memory_space<semaphore_mem>>
          %dma_start3A_366 = tpu.memref_slice %arg2[%multiple_of3A_175] : memref<827520xi32, #tpu.memory_space<hbm>> -> memref<128xi32, #tpu.memory_space<hbm>>
          %dma_start3A_367 = tpu.memref_slice %arg2[%multiple_of3A_175] : memref<827520xi32, #tpu.memory_space<hbm>> -> memref<128xi32, #tpu.memory_space<hbm>>
          tpu.enqueue_dma source(%dma_start3A_367 : memref<128xi32, #tpu.memory_space<hbm>>) target(%arg8 : memref<128xi32, #tpu.memory_space<vmem>>) target_semaphore(%run_scoped3A : memref<!tpu.dma_semaphore, #tpu.memory_space<semaphore_mem>>)
          %dma_wait3A_368 = tpu.memref_slice %arg2[%multiple_of3A_175] : memref<827520xi32, #tpu.memory_space<hbm>> -> memref<128xi32, #tpu.memory_space<hbm>>
          %dma_wait3A_369 = tpu.memref_slice %arg2[%multiple_of3A_175] : memref<827520xi32, #tpu.memory_space<hbm>> -> memref<128xi32, #tpu.memory_space<hbm>>
          tpu.wait_dma2 semaphore(%run_scoped3A : memref<!tpu.dma_semaphore, #tpu.memory_space<semaphore_mem>>) src(%dma_wait3A_369 : memref<128xi32, #tpu.memory_space<hbm>>) dst(%arg8 : memref<128xi32, #tpu.memory_space<vmem>>)
          tpu.yield
        }) : () -> ()
        "tpu.region"() ({
          %run_scoped3A = tpu.sem_alloc : memref<!tpu.dma_semaphore, #tpu.memory_space<semaphore_mem>>
          %dma_start3A_366 = tpu.memref_slice %arg3[%multiple_of3A_175] : memref<827520xi32, #tpu.memory_space<hbm>> -> memref<128xi32, #tpu.memory_space<hbm>>
          %dma_start3A_367 = tpu.memref_slice %arg3[%multiple_of3A_175] : memref<827520xi32, #tpu.memory_space<hbm>> -> memref<128xi32, #tpu.memory_space<hbm>>
          tpu.enqueue_dma source(%dma_start3A_367 : memref<128xi32, #tpu.memory_space<hbm>>) target(%arg9 : memref<128xi32, #tpu.memory_space<vmem>>) target_semaphore(%run_scoped3A : memref<!tpu.dma_semaphore, #tpu.memory_space<semaphore_mem>>)
          %dma_wait3A_368 = tpu.memref_slice %arg3[%multiple_of3A_175] : memref<827520xi32, #tpu.memory_space<hbm>> -> memref<128xi32, #tpu.memory_space<hbm>>
          %dma_wait3A_369 = tpu.memref_slice %arg3[%multiple_of3A_175] : memref<827520xi32, #tpu.memory_space<hbm>> -> memref<128xi32, #tpu.memory_space<hbm>>
          tpu.wait_dma2 semaphore(%run_scoped3A : memref<!tpu.dma_semaphore, #tpu.memory_space<semaphore_mem>>) src(%dma_wait3A_369 : memref<128xi32, #tpu.memory_space<hbm>>) dst(%arg9 : memref<128xi32, #tpu.memory_space<vmem>>)
          tpu.yield
        }) : () -> ()
        %mul3A_176 = arith.constant 128 : i32
        %mul3A_177 = arith.muli %add3A_171, %mul3A_176 : i32
        %sub3A_178 = arith.subi %reduce_sum3A_105, %mul3A_177 : i32
        %get3A_179 = arith.constant 0 : index
        %get3A_180 = tpu.vector_load %arg8[%get3A_179] {strides = array<i32>} : memref<128xi32, #tpu.memory_space<vmem>>, vector<16xi32>,
        %get3A_181 = arith.constant 0 : index
        %get3A_182 = tpu.vector_load %arg9[%get3A_181] {strides = array<i32>} : memref<128xi32, #tpu.memory_space<vmem>>, vector<16xi32>,
        %add3A_183 = arith.constant 0 : i32
        %add3A_184 = vector.broadcast %add3A_183 : i32 to vector<16xi32>
        %add3A_185 = arith.addi %add3A_184, %iota3A : vector<16xi32>
        %lt3A_186 = vector.broadcast %sub3A_178 : i32 to vector<16xi32>
        %lt3A_187 = arith.cmpi slt, %add3A_185, %lt3A_186 : vector<16xi32>
        %and3A_188 = arith.constant 32767 : i32
        %and3A_189 = vector.broadcast %and3A_188 : i32 to vector<16xi32>
        %and3A_190 = arith.andi %get3A_180, %and3A_189 : vector<16xi32>
        %add3A_191 = arith.constant 32768 : i32
        %add3A_192 = vector.broadcast %add3A_191 : i32 to vector<16xi32>
        %add3A_193 = arith.addi %add3A_192, %iota3A : vector<16xi32>
        %select_n3A_194 = arith.select %lt3A_187, %and3A_190, %add3A_193 : vector<16xi1>, vector<16xi32>
        %jit3A_195 = arith.constant 0 : i32
        %broadcast_in_dim3A_196 = vector.broadcast %jit3A_195 : i32 to vector<16xi32>
        %select_n3A_197 = arith.select %lt3A_187, %get3A_182, %broadcast_in_dim3A_196 : vector<16xi1>, vector<16xi32>
        %swap3A = arith.constant 0 : index
        %swap3A_198 = tpu.vector_load %arg10[%swap3A] {strides = array<i32>} : memref<128xi32, #tpu.memory_space<vmem>>, vector<16xi32>,
        tpu.vector_store %arg10[%swap3A], %select_n3A_194 {strides = array<i32>} : memref<128xi32, #tpu.memory_space<vmem>>, vector<16xi32>,
        %swap3A_199 = arith.constant 0 : index
        %swap3A_200 = tpu.vector_load %arg9[%swap3A_199] {strides = array<i32>} : memref<128xi32, #tpu.memory_space<vmem>>, vector<16xi32>,
        tpu.vector_store %arg9[%swap3A_199], %select_n3A_197 {strides = array<i32>} : memref<128xi32, #tpu.memory_space<vmem>>, vector<16xi32>,
        %get3A_201 = arith.constant 16 : index
        %get3A_202 = tpu.vector_load %arg8[%get3A_201] {strides = array<i32>} : memref<128xi32, #tpu.memory_space<vmem>>, vector<16xi32>,
        %get3A_203 = arith.constant 16 : index
        %get3A_204 = tpu.vector_load %arg9[%get3A_203] {strides = array<i32>} : memref<128xi32, #tpu.memory_space<vmem>>, vector<16xi32>,
        %add3A_205 = arith.constant 16 : i32
        %add3A_206 = vector.broadcast %add3A_205 : i32 to vector<16xi32>
        %add3A_207 = arith.addi %add3A_206, %iota3A : vector<16xi32>
        %lt3A_208 = vector.broadcast %sub3A_178 : i32 to vector<16xi32>
        %lt3A_209 = arith.cmpi slt, %add3A_207, %lt3A_208 : vector<16xi32>
        %and3A_210 = arith.constant 32767 : i32
        %and3A_211 = vector.broadcast %and3A_210 : i32 to vector<16xi32>
        %and3A_212 = arith.andi %get3A_202, %and3A_211 : vector<16xi32>
        %add3A_213 = arith.constant 32768 : i32
        %add3A_214 = vector.broadcast %add3A_213 : i32 to vector<16xi32>
        %add3A_215 = arith.addi %add3A_214, %iota3A : vector<16xi32>
        %select_n3A_216 = arith.select %lt3A_209, %and3A_212, %add3A_215 : vector<16xi1>, vector<16xi32>
        %jit3A_217 = arith.constant 0 : i32
        %broadcast_in_dim3A_218 = vector.broadcast %jit3A_217 : i32 to vector<16xi32>
        %select_n3A_219 = arith.select %lt3A_209, %get3A_204, %broadcast_in_dim3A_218 : vector<16xi1>, vector<16xi32>
        %swap3A_220 = arith.constant 16 : index
        %swap3A_221 = tpu.vector_load %arg10[%swap3A_220] {strides = array<i32>} : memref<128xi32, #tpu.memory_space<vmem>>, vector<16xi32>,
        tpu.vector_store %arg10[%swap3A_220], %select_n3A_216 {strides = array<i32>} : memref<128xi32, #tpu.memory_space<vmem>>, vector<16xi32>,
        %swap3A_222 = arith.constant 16 : index
        %swap3A_223 = tpu.vector_load %arg9[%swap3A_222] {strides = array<i32>} : memref<128xi32, #tpu.memory_space<vmem>>, vector<16xi32>,
        tpu.vector_store %arg9[%swap3A_222], %select_n3A_219 {strides = array<i32>} : memref<128xi32, #tpu.memory_space<vmem>>, vector<16xi32>,
        %get3A_224 = arith.constant 32 : index
        %get3A_225 = tpu.vector_load %arg8[%get3A_224] {strides = array<i32>} : memref<128xi32, #tpu.memory_space<vmem>>, vector<16xi32>,
        %get3A_226 = arith.constant 32 : index
        %get3A_227 = tpu.vector_load %arg9[%get3A_226] {strides = array<i32>} : memref<128xi32, #tpu.memory_space<vmem>>, vector<16xi32>,
        %add3A_228 = arith.constant 32 : i32
        %add3A_229 = vector.broadcast %add3A_228 : i32 to vector<16xi32>
        %add3A_230 = arith.addi %add3A_229, %iota3A : vector<16xi32>
        %lt3A_231 = vector.broadcast %sub3A_178 : i32 to vector<16xi32>
        %lt3A_232 = arith.cmpi slt, %add3A_230, %lt3A_231 : vector<16xi32>
        %and3A_233 = arith.constant 32767 : i32
        %and3A_234 = vector.broadcast %and3A_233 : i32 to vector<16xi32>
        %and3A_235 = arith.andi %get3A_225, %and3A_234 : vector<16xi32>
        %add3A_236 = arith.constant 32768 : i32
        %add3A_237 = vector.broadcast %add3A_236 : i32 to vector<16xi32>
        %add3A_238 = arith.addi %add3A_237, %iota3A : vector<16xi32>
        %select_n3A_239 = arith.select %lt3A_232, %and3A_235, %add3A_238 : vector<16xi1>, vector<16xi32>
        %jit3A_240 = arith.constant 0 : i32
        %broadcast_in_dim3A_241 = vector.broadcast %jit3A_240 : i32 to vector<16xi32>
        %select_n3A_242 = arith.select %lt3A_232, %get3A_227, %broadcast_in_dim3A_241 : vector<16xi1>, vector<16xi32>
        %swap3A_243 = arith.constant 32 : index
        %swap3A_244 = tpu.vector_load %arg10[%swap3A_243] {strides = array<i32>} : memref<128xi32, #tpu.memory_space<vmem>>, vector<16xi32>,
        tpu.vector_store %arg10[%swap3A_243], %select_n3A_239 {strides = array<i32>} : memref<128xi32, #tpu.memory_space<vmem>>, vector<16xi32>,
        %swap3A_245 = arith.constant 32 : index
        %swap3A_246 = tpu.vector_load %arg9[%swap3A_245] {strides = array<i32>} : memref<128xi32, #tpu.memory_space<vmem>>, vector<16xi32>,
        tpu.vector_store %arg9[%swap3A_245], %select_n3A_242 {strides = array<i32>} : memref<128xi32, #tpu.memory_space<vmem>>, vector<16xi32>,
        %get3A_247 = arith.constant 48 : index
        %get3A_248 = tpu.vector_load %arg8[%get3A_247] {strides = array<i32>} : memref<128xi32, #tpu.memory_space<vmem>>, vector<16xi32>,
        %get3A_249 = arith.constant 48 : index
        %get3A_250 = tpu.vector_load %arg9[%get3A_249] {strides = array<i32>} : memref<128xi32, #tpu.memory_space<vmem>>, vector<16xi32>,
        %add3A_251 = arith.constant 48 : i32
        %add3A_252 = vector.broadcast %add3A_251 : i32 to vector<16xi32>
        %add3A_253 = arith.addi %add3A_252, %iota3A : vector<16xi32>
        %lt3A_254 = vector.broadcast %sub3A_178 : i32 to vector<16xi32>
        %lt3A_255 = arith.cmpi slt, %add3A_253, %lt3A_254 : vector<16xi32>
        %and3A_256 = arith.constant 32767 : i32
        %and3A_257 = vector.broadcast %and3A_256 : i32 to vector<16xi32>
        %and3A_258 = arith.andi %get3A_248, %and3A_257 : vector<16xi32>
        %add3A_259 = arith.constant 32768 : i32
        %add3A_260 = vector.broadcast %add3A_259 : i32 to vector<16xi32>
        %add3A_261 = arith.addi %add3A_260, %iota3A : vector<16xi32>
        %select_n3A_262 = arith.select %lt3A_255, %and3A_258, %add3A_261 : vector<16xi1>, vector<16xi32>
        %jit3A_263 = arith.constant 0 : i32
        %broadcast_in_dim3A_264 = vector.broadcast %jit3A_263 : i32 to vector<16xi32>
        %select_n3A_265 = arith.select %lt3A_255, %get3A_250, %broadcast_in_dim3A_264 : vector<16xi1>, vector<16xi32>
        %swap3A_266 = arith.constant 48 : index
        %swap3A_267 = tpu.vector_load %arg10[%swap3A_266] {strides = array<i32>} : memref<128xi32, #tpu.memory_space<vmem>>, vector<16xi32>,
        tpu.vector_store %arg10[%swap3A_266], %select_n3A_262 {strides = array<i32>} : memref<128xi32, #tpu.memory_space<vmem>>, vector<16xi32>,
        %swap3A_268 = arith.constant 48 : index
        %swap3A_269 = tpu.vector_load %arg9[%swap3A_268] {strides = array<i32>} : memref<128xi32, #tpu.memory_space<vmem>>, vector<16xi32>,
        tpu.vector_store %arg9[%swap3A_268], %select_n3A_265 {strides = array<i32>} : memref<128xi32, #tpu.memory_space<vmem>>, vector<16xi32>,
        %get3A_270 = arith.constant 64 : index
        %get3A_271 = tpu.vector_load %arg8[%get3A_270] {strides = array<i32>} : memref<128xi32, #tpu.memory_space<vmem>>, vector<16xi32>,
        %get3A_272 = arith.constant 64 : index
        %get3A_273 = tpu.vector_load %arg9[%get3A_272] {strides = array<i32>} : memref<128xi32, #tpu.memory_space<vmem>>, vector<16xi32>,
        %add3A_274 = arith.constant 64 : i32
        %add3A_275 = vector.broadcast %add3A_274 : i32 to vector<16xi32>
        %add3A_276 = arith.addi %add3A_275, %iota3A : vector<16xi32>
        %lt3A_277 = vector.broadcast %sub3A_178 : i32 to vector<16xi32>
        %lt3A_278 = arith.cmpi slt, %add3A_276, %lt3A_277 : vector<16xi32>
        %and3A_279 = arith.constant 32767 : i32
        %and3A_280 = vector.broadcast %and3A_279 : i32 to vector<16xi32>
        %and3A_281 = arith.andi %get3A_271, %and3A_280 : vector<16xi32>
        %add3A_282 = arith.constant 32768 : i32
        %add3A_283 = vector.broadcast %add3A_282 : i32 to vector<16xi32>
        %add3A_284 = arith.addi %add3A_283, %iota3A : vector<16xi32>
        %select_n3A_285 = arith.select %lt3A_278, %and3A_281, %add3A_284 : vector<16xi1>, vector<16xi32>
        %jit3A_286 = arith.constant 0 : i32
        %broadcast_in_dim3A_287 = vector.broadcast %jit3A_286 : i32 to vector<16xi32>
        %select_n3A_288 = arith.select %lt3A_278, %get3A_273, %broadcast_in_dim3A_287 : vector<16xi1>, vector<16xi32>
        %swap3A_289 = arith.constant 64 : index
        %swap3A_290 = tpu.vector_load %arg10[%swap3A_289] {strides = array<i32>} : memref<128xi32, #tpu.memory_space<vmem>>, vector<16xi32>,
        tpu.vector_store %arg10[%swap3A_289], %select_n3A_285 {strides = array<i32>} : memref<128xi32, #tpu.memory_space<vmem>>, vector<16xi32>,
        %swap3A_291 = arith.constant 64 : index
        %swap3A_292 = tpu.vector_load %arg9[%swap3A_291] {strides = array<i32>} : memref<128xi32, #tpu.memory_space<vmem>>, vector<16xi32>,
        tpu.vector_store %arg9[%swap3A_291], %select_n3A_288 {strides = array<i32>} : memref<128xi32, #tpu.memory_space<vmem>>, vector<16xi32>,
        %get3A_293 = arith.constant 80 : index
        %get3A_294 = tpu.vector_load %arg8[%get3A_293] {strides = array<i32>} : memref<128xi32, #tpu.memory_space<vmem>>, vector<16xi32>,
        %get3A_295 = arith.constant 80 : index
        %get3A_296 = tpu.vector_load %arg9[%get3A_295] {strides = array<i32>} : memref<128xi32, #tpu.memory_space<vmem>>, vector<16xi32>,
        %add3A_297 = arith.constant 80 : i32
        %add3A_298 = vector.broadcast %add3A_297 : i32 to vector<16xi32>
        %add3A_299 = arith.addi %add3A_298, %iota3A : vector<16xi32>
        %lt3A_300 = vector.broadcast %sub3A_178 : i32 to vector<16xi32>
        %lt3A_301 = arith.cmpi slt, %add3A_299, %lt3A_300 : vector<16xi32>
        %and3A_302 = arith.constant 32767 : i32
        %and3A_303 = vector.broadcast %and3A_302 : i32 to vector<16xi32>
        %and3A_304 = arith.andi %get3A_294, %and3A_303 : vector<16xi32>
        %add3A_305 = arith.constant 32768 : i32
        %add3A_306 = vector.broadcast %add3A_305 : i32 to vector<16xi32>
        %add3A_307 = arith.addi %add3A_306, %iota3A : vector<16xi32>
        %select_n3A_308 = arith.select %lt3A_301, %and3A_304, %add3A_307 : vector<16xi1>, vector<16xi32>
        %jit3A_309 = arith.constant 0 : i32
        %broadcast_in_dim3A_310 = vector.broadcast %jit3A_309 : i32 to vector<16xi32>
        %select_n3A_311 = arith.select %lt3A_301, %get3A_296, %broadcast_in_dim3A_310 : vector<16xi1>, vector<16xi32>
        %swap3A_312 = arith.constant 80 : index
        %swap3A_313 = tpu.vector_load %arg10[%swap3A_312] {strides = array<i32>} : memref<128xi32, #tpu.memory_space<vmem>>, vector<16xi32>,
        tpu.vector_store %arg10[%swap3A_312], %select_n3A_308 {strides = array<i32>} : memref<128xi32, #tpu.memory_space<vmem>>, vector<16xi32>,
        %swap3A_314 = arith.constant 80 : index
        %swap3A_315 = tpu.vector_load %arg9[%swap3A_314] {strides = array<i32>} : memref<128xi32, #tpu.memory_space<vmem>>, vector<16xi32>,
        tpu.vector_store %arg9[%swap3A_314], %select_n3A_311 {strides = array<i32>} : memref<128xi32, #tpu.memory_space<vmem>>, vector<16xi32>,
        %get3A_316 = arith.constant 96 : index
        %get3A_317 = tpu.vector_load %arg8[%get3A_316] {strides = array<i32>} : memref<128xi32, #tpu.memory_space<vmem>>, vector<16xi32>,
        %get3A_318 = arith.constant 96 : index
        %get3A_319 = tpu.vector_load %arg9[%get3A_318] {strides = array<i32>} : memref<128xi32, #tpu.memory_space<vmem>>, vector<16xi32>,
        %add3A_320 = arith.constant 96 : i32
        %add3A_321 = vector.broadcast %add3A_320 : i32 to vector<16xi32>
        %add3A_322 = arith.addi %add3A_321, %iota3A : vector<16xi32>
        %lt3A_323 = vector.broadcast %sub3A_178 : i32 to vector<16xi32>
        %lt3A_324 = arith.cmpi slt, %add3A_322, %lt3A_323 : vector<16xi32>
        %and3A_325 = arith.constant 32767 : i32
        %and3A_326 = vector.broadcast %and3A_325 : i32 to vector<16xi32>
        %and3A_327 = arith.andi %get3A_317, %and3A_326 : vector<16xi32>
        %add3A_328 = arith.constant 32768 : i32
        %add3A_329 = vector.broadcast %add3A_328 : i32 to vector<16xi32>
        %add3A_330 = arith.addi %add3A_329, %iota3A : vector<16xi32>
        %select_n3A_331 = arith.select %lt3A_324, %and3A_327, %add3A_330 : vector<16xi1>, vector<16xi32>
        %jit3A_332 = arith.constant 0 : i32
        %broadcast_in_dim3A_333 = vector.broadcast %jit3A_332 : i32 to vector<16xi32>
        %select_n3A_334 = arith.select %lt3A_324, %get3A_319, %broadcast_in_dim3A_333 : vector<16xi1>, vector<16xi32>
        %swap3A_335 = arith.constant 96 : index
        %swap3A_336 = tpu.vector_load %arg10[%swap3A_335] {strides = array<i32>} : memref<128xi32, #tpu.memory_space<vmem>>, vector<16xi32>,
        tpu.vector_store %arg10[%swap3A_335], %select_n3A_331 {strides = array<i32>} : memref<128xi32, #tpu.memory_space<vmem>>, vector<16xi32>,
        %swap3A_337 = arith.constant 96 : index
        %swap3A_338 = tpu.vector_load %arg9[%swap3A_337] {strides = array<i32>} : memref<128xi32, #tpu.memory_space<vmem>>, vector<16xi32>,
        tpu.vector_store %arg9[%swap3A_337], %select_n3A_334 {strides = array<i32>} : memref<128xi32, #tpu.memory_space<vmem>>, vector<16xi32>,
        %get3A_339 = arith.constant 112 : index
        %get3A_340 = tpu.vector_load %arg8[%get3A_339] {strides = array<i32>} : memref<128xi32, #tpu.memory_space<vmem>>, vector<16xi32>,
        %get3A_341 = arith.constant 112 : index
        %get3A_342 = tpu.vector_load %arg9[%get3A_341] {strides = array<i32>} : memref<128xi32, #tpu.memory_space<vmem>>, vector<16xi32>,
        %add3A_343 = arith.constant 112 : i32
        %add3A_344 = vector.broadcast %add3A_343 : i32 to vector<16xi32>
        %add3A_345 = arith.addi %add3A_344, %iota3A : vector<16xi32>
        %lt3A_346 = vector.broadcast %sub3A_178 : i32 to vector<16xi32>
        %lt3A_347 = arith.cmpi slt, %add3A_345, %lt3A_346 : vector<16xi32>
        %and3A_348 = arith.constant 32767 : i32
        %and3A_349 = vector.broadcast %and3A_348 : i32 to vector<16xi32>
        %and3A_350 = arith.andi %get3A_340, %and3A_349 : vector<16xi32>
        %add3A_351 = arith.constant 32768 : i32
        %add3A_352 = vector.broadcast %add3A_351 : i32 to vector<16xi32>
        %add3A_353 = arith.addi %add3A_352, %iota3A : vector<16xi32>
        %select_n3A_354 = arith.select %lt3A_347, %and3A_350, %add3A_353 : vector<16xi1>, vector<16xi32>
        %jit3A_355 = arith.constant 0 : i32
        %broadcast_in_dim3A_356 = vector.broadcast %jit3A_355 : i32 to vector<16xi32>
        %select_n3A_357 = arith.select %lt3A_347, %get3A_342, %broadcast_in_dim3A_356 : vector<16xi1>, vector<16xi32>
        %swap3A_358 = arith.constant 112 : index
        %swap3A_359 = tpu.vector_load %arg10[%swap3A_358] {strides = array<i32>} : memref<128xi32, #tpu.memory_space<vmem>>, vector<16xi32>,
        tpu.vector_store %arg10[%swap3A_358], %select_n3A_354 {strides = array<i32>} : memref<128xi32, #tpu.memory_space<vmem>>, vector<16xi32>,
        %swap3A_360 = arith.constant 112 : index
        %swap3A_361 = tpu.vector_load %arg9[%swap3A_360] {strides = array<i32>} : memref<128xi32, #tpu.memory_space<vmem>>, vector<16xi32>,
        tpu.vector_store %arg9[%swap3A_360], %select_n3A_357 {strides = array<i32>} : memref<128xi32, #tpu.memory_space<vmem>>, vector<16xi32>,
        %dma_start3A = arith.constant 0 : i32
        %dma_start3A_362 = arith.constant 0 : i32
        %dma_start3A_363 = tpu.memref_slice %arg6[%dma_start3A, %dma_start3A_362] : memref<819200x32xf32, #tpu.memory_space<hbm>> -> memref<819200x32xf32, #tpu.memory_space<hbm>>
        tpu.enqueue_indirect_dma source(%dma_start3A_363 : memref<819200x32xf32, #tpu.memory_space<hbm>>) target(%arg11 : memref<128x32xf32, #tpu.memory_space<vmem>>) offsets(%arg9 : memref<128xi32, #tpu.memory_space<vmem>>) semaphore(%arg16 : memref<!tpu.dma_semaphore, #tpu.memory_space<semaphore_mem>>)
        %dma_wait3A = arith.constant 0 : i32
        %dma_wait3A_364 = arith.constant 0 : i32
        %dma_wait3A_365 = tpu.memref_slice %arg6[%dma_wait3A, %dma_wait3A_364] : memref<819200x32xf32, #tpu.memory_space<hbm>> -> memref<819200x32xf32, #tpu.memory_space<hbm>>
        tpu.wait_indirect_dma semaphore(%arg16 : memref<!tpu.dma_semaphore, #tpu.memory_space<semaphore_mem>>) src(%dma_wait3A_365 : memref<819200x32xf32, #tpu.memory_space<hbm>>) dst(%arg11 : memref<128x32xf32, #tpu.memory_space<vmem>>)
        "tpu.region"() ({
          %run_scoped3A = tpu.sem_alloc : memref<!tpu.dma_semaphore, #tpu.memory_space<semaphore_mem>>
          %dma_start3A_366 = arith.constant 0 : i32
          %dma_start3A_367 = arith.constant 0 : i32
          %dma_start3A_368 = tpu.memref_slice %arg15[%dma_start3A_366, %dma_start3A_367] : memref<32784x32xf32, #tpu.memory_space<vmem_shared>> -> memref<32784x32xf32, #tpu.memory_space<vmem_shared>>
          tpu.enqueue_indirect_dma source(%arg11 : memref<128x32xf32, #tpu.memory_space<vmem>>) target(%dma_start3A_368 : memref<32784x32xf32, #tpu.memory_space<vmem_shared>>) offsets(%arg10 : memref<128xi32, #tpu.memory_space<vmem>>) semaphore(%run_scoped3A : memref<!tpu.dma_semaphore, #tpu.memory_space<semaphore_mem>>) {add = true}
          %dma_wait3A_369 = arith.constant 0 : i32
          %dma_wait3A_370 = arith.constant 0 : i32
          %dma_wait3A_371 = tpu.memref_slice %arg15[%dma_wait3A_369, %dma_wait3A_370] : memref<32784x32xf32, #tpu.memory_space<vmem_shared>> -> memref<32784x32xf32, #tpu.memory_space<vmem_shared>>
          tpu.wait_indirect_dma semaphore(%run_scoped3A : memref<!tpu.dma_semaphore, #tpu.memory_space<semaphore_mem>>) src(%arg11 : memref<128x32xf32, #tpu.memory_space<vmem>>) dst(%dma_wait3A_371 : memref<32784x32xf32, #tpu.memory_space<vmem_shared>>)
          tpu.yield
        }) : () -> ()
      }
      %barrier3A_149 = arith.constant 0 : index
      tpu.barrier barrier_id(%barrier3A_149)
      %mul3A_150 = arith.constant 32768 : i32
      %mul3A_151 = arith.muli %add3A_15, %mul3A_150 : i32
      %mul3A_152 = arith.constant 2048 : i32
      %mul3A_153 = arith.muli %arg1, %mul3A_152 : i32
      %add3A_154 = arith.addi %mul3A_151, %mul3A_153 : i32
      %multiple_of3A_155 = tpu.assume_multiple %add3A_154, 64 : i32
      %add3A_156 = arith.constant 2048 : i32
      %add3A_157 = arith.addi %multiple_of3A_155, %add3A_156 : i32
      %le3A = arith.constant 1000000 : i32
      %le3A_158 = arith.cmpi sle, %add3A_157, %le3A : i32
      %convert_element_type3A = arith.extui %le3A_158 : i1 to i32
      %cond3A = arith.constant 0 : i32
      %cond3A_159 = arith.cmpi ne, %convert_element_type3A, %cond3A : i32
      scf.if %cond3A_159 {
        %mul3A_169 = arith.constant 2048 : i32
        %mul3A_170 = arith.muli %arg1, %mul3A_169 : i32
        "tpu.region"() ({
          %run_scoped3A = tpu.sem_alloc : memref<!tpu.dma_semaphore, #tpu.memory_space<semaphore_mem>>
          %dma_start3A = arith.constant 0 : i32
          %dma_start3A_171 = tpu.memref_slice %arg7[%multiple_of3A_155, %dma_start3A] : memref<1000000x32xf32, #tpu.memory_space<hbm>> -> memref<2048x32xf32, #tpu.memory_space<hbm>>
          %dma_start3A_172 = arith.constant 0 : i32
          %dma_start3A_173 = tpu.memref_slice %arg15[%mul3A_170, %dma_start3A_172] : memref<32784x32xf32, #tpu.memory_space<vmem_shared>> -> memref<2048x32xf32, #tpu.memory_space<vmem_shared>>
          tpu.enqueue_dma source(%dma_start3A_173 : memref<2048x32xf32, #tpu.memory_space<vmem_shared>>) target(%dma_start3A_171 : memref<2048x32xf32, #tpu.memory_space<hbm>>) target_semaphore(%run_scoped3A : memref<!tpu.dma_semaphore, #tpu.memory_space<semaphore_mem>>)
          %dma_wait3A = arith.constant 0 : i32
          %dma_wait3A_174 = tpu.memref_slice %arg7[%multiple_of3A_155, %dma_wait3A] : memref<1000000x32xf32, #tpu.memory_space<hbm>> -> memref<2048x32xf32, #tpu.memory_space<hbm>>
          %dma_wait3A_175 = arith.constant 0 : i32
          %dma_wait3A_176 = tpu.memref_slice %arg15[%mul3A_170, %dma_wait3A_175] : memref<32784x32xf32, #tpu.memory_space<vmem_shared>> -> memref<2048x32xf32, #tpu.memory_space<vmem_shared>>
          tpu.wait_dma2 semaphore(%run_scoped3A : memref<!tpu.dma_semaphore, #tpu.memory_space<semaphore_mem>>) src(%dma_wait3A_176 : memref<2048x32xf32, #tpu.memory_space<vmem_shared>>) dst(%dma_wait3A_174 : memref<2048x32xf32, #tpu.memory_space<hbm>>)
          tpu.yield
        }) : () -> ()
      } else {
      }
      %lt3A = arith.constant 1000000 : i32
      %lt3A_160 = arith.cmpi slt, %multiple_of3A_155, %lt3A : i32
      %add3A_161 = arith.constant 2048 : i32
      %add3A_162 = arith.addi %multiple_of3A_155, %add3A_161 : i32
      %gt3A = arith.constant 1000000 : i32
      %gt3A_163 = arith.cmpi sgt, %add3A_162, %gt3A : i32
      %and3A_164 = arith.andi %lt3A_160, %gt3A_163 : i1
      %convert_element_type3A_165 = arith.extui %and3A_164 : i1 to i32
      %cond3A_166 = arith.constant 0 : i32
      %cond3A_167 = arith.cmpi ne, %convert_element_type3A_165, %cond3A_166 : i32
      scf.if %cond3A_167 {
        %sub3A_169 = arith.constant 1000000 : i32
        %sub3A_170 = arith.subi %sub3A_169, %multiple_of3A_155 : i32
        %jit3A_171 = arith.constant 64 : i32
        %div3A_172 = arith.divsi %sub3A_170, %jit3A_171 : i32
        %sign3A = arith.constant 0 : i32
        %sign3A_173 = arith.cmpi sgt, %sub3A_170, %sign3A : i32
        %sign3A_174 = arith.extui %sign3A_173 : i1 to i32
        %sign3A_175 = arith.constant 0 : i32
        %sign3A_176 = arith.cmpi slt, %sub3A_170, %sign3A_175 : i32
        %sign3A_177 = arith.extui %sign3A_176 : i1 to i32
        %sign3A_178 = arith.subi %sign3A_174, %sign3A_177 : i32
        %sign3A_179 = arith.constant 0 : i32
        %sign3A_180 = arith.cmpi sgt, %jit3A_171, %sign3A_179 : i32
        %sign3A_181 = arith.extui %sign3A_180 : i1 to i32
        %sign3A_182 = arith.constant 0 : i32
        %sign3A_183 = arith.cmpi slt, %jit3A_171, %sign3A_182 : i32
        %sign3A_184 = arith.extui %sign3A_183 : i1 to i32
        %sign3A_185 = arith.subi %sign3A_181, %sign3A_184 : i32
        %ne3A = arith.cmpi ne, %sign3A_178, %sign3A_185 : i32
        %rem3A = arith.remsi %sub3A_170, %jit3A_171 : i32
        %ne3A_186 = arith.constant 0 : i32
        %ne3A_187 = arith.cmpi ne, %rem3A, %ne3A_186 : i32
        %and3A_188 = arith.andi %ne3A, %ne3A_187 : i1
        %sub3A_189 = arith.constant 1 : i32
        %sub3A_190 = arith.subi %div3A_172, %sub3A_189 : i32
        %select_n3A_191 = arith.select %and3A_188, %sub3A_190, %div3A_172 : i32
        %sub3A_192 = arith.constant 0 : i32
        %sub3A_193 = arith.subi %select_n3A_191, %sub3A_192 : i32
        %sub3A_194 = arith.constant 1 : i32
        %sub3A_195 = arith.constant 1 : i32
        %sub3A_196 = arith.subi %sub3A_194, %sub3A_195 : i32
        %add3A_197 = arith.addi %sub3A_193, %sub3A_196 : i32
        %div3A_198 = arith.constant 1 : i32
        %div3A_199 = arith.divsi %add3A_197, %div3A_198 : i32
        %while3A_200 = arith.constant 1 : i32
        %while3A_201 = arith.constant 0 : i32
        %while3A_202 = arith.constant 0 : i32
        %while3A_203 = arith.subi %div3A_199, %while3A_202 : i32
        %while3A_204 = arith.addi %while3A_202, %while3A_203 : i32
        %while3A_205 = arith.constant 1 : i32
        %while3A_206 = arith.divsi %while3A_203, %while3A_205 : i32
        %while3A_207 = arith.muli %while3A_206, %while3A_205 : i32
        %while3A_208 = arith.addi %while3A_202, %while3A_207 : i32
        %while3A_209 = arith.constant 1 : i32
        scf.for %while3A_211 = %while3A_202 to %while3A_208 step %while3A_209  : i32 {
          %mul3A_212 = arith.muli %while3A_211, %while3A_200 : i32
          %add3A_213 = arith.addi %while3A_201, %mul3A_212 : i32
          %mul3A_214 = arith.constant 2048 : i32
          %mul3A_215 = arith.muli %arg1, %mul3A_214 : i32
          %mul3A_216 = arith.constant 64 : i32
          %mul3A_217 = arith.muli %add3A_213, %mul3A_216 : i32
          %add3A_218 = arith.addi %mul3A_215, %mul3A_217 : i32
          %mul3A_219 = arith.constant 64 : i32
          %mul3A_220 = arith.muli %add3A_213, %mul3A_219 : i32
          %add3A_221 = arith.addi %multiple_of3A_155, %mul3A_220 : i32
          "tpu.region"() ({
            %run_scoped3A = tpu.sem_alloc : memref<!tpu.dma_semaphore, #tpu.memory_space<semaphore_mem>>
            %dma_start3A = arith.constant 0 : i32
            %dma_start3A_222 = tpu.memref_slice %arg7[%add3A_221, %dma_start3A] : memref<1000000x32xf32, #tpu.memory_space<hbm>> -> memref<64x32xf32, #tpu.memory_space<hbm>>
            %dma_start3A_223 = arith.constant 0 : i32
            %dma_start3A_224 = tpu.memref_slice %arg15[%add3A_218, %dma_start3A_223] : memref<32784x32xf32, #tpu.memory_space<vmem_shared>> -> memref<64x32xf32, #tpu.memory_space<vmem_shared>>
            tpu.enqueue_dma source(%dma_start3A_224 : memref<64x32xf32, #tpu.memory_space<vmem_shared>>) target(%dma_start3A_222 : memref<64x32xf32, #tpu.memory_space<hbm>>) target_semaphore(%run_scoped3A : memref<!tpu.dma_semaphore, #tpu.memory_space<semaphore_mem>>)
            %dma_wait3A = arith.constant 0 : i32
            %dma_wait3A_225 = tpu.memref_slice %arg7[%add3A_221, %dma_wait3A] : memref<1000000x32xf32, #tpu.memory_space<hbm>> -> memref<64x32xf32, #tpu.memory_space<hbm>>
            %dma_wait3A_226 = arith.constant 0 : i32
            %dma_wait3A_227 = tpu.memref_slice %arg15[%add3A_218, %dma_wait3A_226] : memref<32784x32xf32, #tpu.memory_space<vmem_shared>> -> memref<64x32xf32, #tpu.memory_space<vmem_shared>>
            tpu.wait_dma2 semaphore(%run_scoped3A : memref<!tpu.dma_semaphore, #tpu.memory_space<semaphore_mem>>) src(%dma_wait3A_227 : memref<64x32xf32, #tpu.memory_space<vmem_shared>>) dst(%dma_wait3A_225 : memref<64x32xf32, #tpu.memory_space<hbm>>)
            tpu.yield
          }) : () -> ()
        }
        %while3A_210 = arith.constant 1 : i32
        scf.for %while3A_211 = %while3A_208 to %while3A_204 step %while3A_210  : i32 {
          %mul3A_212 = arith.muli %while3A_211, %while3A_200 : i32
          %add3A_213 = arith.addi %while3A_201, %mul3A_212 : i32
          %mul3A_214 = arith.constant 2048 : i32
          %mul3A_215 = arith.muli %arg1, %mul3A_214 : i32
          %mul3A_216 = arith.constant 64 : i32
          %mul3A_217 = arith.muli %add3A_213, %mul3A_216 : i32
          %add3A_218 = arith.addi %mul3A_215, %mul3A_217 : i32
          %mul3A_219 = arith.constant 64 : i32
          %mul3A_220 = arith.muli %add3A_213, %mul3A_219 : i32
          %add3A_221 = arith.addi %multiple_of3A_155, %mul3A_220 : i32
          "tpu.region"() ({
            %run_scoped3A = tpu.sem_alloc : memref<!tpu.dma_semaphore, #tpu.memory_space<semaphore_mem>>
            %dma_start3A = arith.constant 0 : i32
            %dma_start3A_222 = tpu.memref_slice %arg7[%add3A_221, %dma_start3A] : memref<1000000x32xf32, #tpu.memory_space<hbm>> -> memref<64x32xf32, #tpu.memory_space<hbm>>
            %dma_start3A_223 = arith.constant 0 : i32
            %dma_start3A_224 = tpu.memref_slice %arg15[%add3A_218, %dma_start3A_223] : memref<32784x32xf32, #tpu.memory_space<vmem_shared>> -> memref<64x32xf32, #tpu.memory_space<vmem_shared>>
            tpu.enqueue_dma source(%dma_start3A_224 : memref<64x32xf32, #tpu.memory_space<vmem_shared>>) target(%dma_start3A_222 : memref<64x32xf32, #tpu.memory_space<hbm>>) target_semaphore(%run_scoped3A : memref<!tpu.dma_semaphore, #tpu.memory_space<semaphore_mem>>)
            %dma_wait3A = arith.constant 0 : i32
            %dma_wait3A_225 = tpu.memref_slice %arg7[%add3A_221, %dma_wait3A] : memref<1000000x32xf32, #tpu.memory_space<hbm>> -> memref<64x32xf32, #tpu.memory_space<hbm>>
            %dma_wait3A_226 = arith.constant 0 : i32
            %dma_wait3A_227 = tpu.memref_slice %arg15[%add3A_218, %dma_wait3A_226] : memref<32784x32xf32, #tpu.memory_space<vmem_shared>> -> memref<64x32xf32, #tpu.memory_space<vmem_shared>>
            tpu.wait_dma2 semaphore(%run_scoped3A : memref<!tpu.dma_semaphore, #tpu.memory_space<semaphore_mem>>) src(%dma_wait3A_227 : memref<64x32xf32, #tpu.memory_space<vmem_shared>>) dst(%dma_wait3A_225 : memref<64x32xf32, #tpu.memory_space<hbm>>)
            tpu.yield
          }) : () -> ()
        }
      } else {
      }
      %barrier3A_168 = arith.constant 0 : index
      tpu.barrier barrier_id(%barrier3A_168)
    }
    %scan3A_9 = arith.constant 16 : i32
    return
  }
}

</mosaic_0001>

<sc_bundles>
// kernel: kernel.4.cloned.1.call-start
scs
__scs_entry_jumppad:
0x0: {  	(pc) =	sbr.rel $0x88, $3  }
0x1: {  	(tag) =	ssettag $0x0;
	lr =	simm.s32 $0x1  }
0x2: {  	[smem:$0x3F9F] =	sst lr;
	_ =	strace $0xD0000000  }
0x3: {  	_ = 	snop  }
0x4: {  	_ = 	snop  }
0x5: {  	_ = 	snop  }
0x6: {  	_ = 	snop  }
0x7: {  	_ = 	snop  }
__scs_overlays_trampoline_lowered:
0x8: {  	[smem:$0x3FAE] =	sst s0  }
0x9: {  	[smem:$0x3FAF] =	sst s1  }
0xa: {  	[smem:$0x3FB0] =	sst s2  }
0xb: {  	[smem:$0x3FB1] =	sst s3  }
0xc: {  	[smem:$0x3FB2] =	sst s4  }
0xd: {  	[smem:$0x3FB3] =	sst s5  }
0xe: {  	[smem:$0x3FB4] =	sst s6  }
0xf: {  	[smem:$0x3FB5] =	sst s7  }
0x10: {  	[smem:$0x3FB6] =	sst s8  }
0x11: {  	[smem:$0x3FB7] =	sst s9;
	s0 =	simm.s32 @!p0 $0x0  }
0x12: {  	s1 =	sld [smem:$0x3F9D];
	s0 =	simm.s32 @p0 $0x1  }
0x13: {  	[smem:$0x3FB8] =	sst s0;
	s0 =	simm.s32 @!p1 $0x0  }
0x14: {  	s2 =	sld [smem:$0x3F9C];
	s0 =	simm.s32 @p1 $0x1  }
0x15: {  	[smem:$0x3FB9] =	sst s0;
	s0 =	simm.s32 @!p2 $0x0  }
0x16: {  	s3 =	sld [smem:$0x3FDB];
	s0 =	simm.s32 @p2 $0x1  }
0x17: {  	s4 =	simm.s32 $0x1BF5;
	[smem:$0x3FBB] =	sst s0  }
0x18: {  	s0 =	sld [smem:$0x3F9E];
	_ =	swait.ge [sflag:s4], $0x0  }
0x19: {  	s7 =	sld [smem:$0x3F9F]  }
0x1a: {  	s8 =	sadd.s32 $0xFFFFE003, lr  }
0x1b: {  	s9 =	sadd.s32 $0xFFFFFEF7, lr;
	s5 =	simm.s32 $0xFFFFFFFF;
	p2 =	slt.u32 s8, $0xFFFFF086  }
0x1c: {  	p1 =	slt.u32 s9, $0xF7A;
	s5 =	simm.s32 @!p2 $0x0  }
0x1d: {  	s5 =	simm.s32 @p1 $0x1;
	p0 =	seq.s32 s7, s2  }
0x1e: {  	s7 =	smul.u32 @!p0 $0xF7A, s2;
	p2 =	seq.s32 @!p0 s5, $0x0  }
0x1f: {  	s9 =	smul.u32 $0xF7A, s1;
	s8 =	simm.s32 @!p0 $0x1BF5;
	p2 =	por !p2, p0  }
0x20: {  	[sflag:s8] =	ssyncset.s32 @!p0 $0xFFFFF086;
	s6 =	sadd.s32 @!p0 s3, s7;
	s7 =	simm.s32 @!p0 $0x108  }
0x21: {  	s3 =	sadd.s32 s3, s9;
	s6 =	sadd.s32 @!p0 $0x88, s6;
	s7 =	simm.s32 @p2 $0x1082  }
0x22: {  	[simem:s7], [sflag:s8] =	dma.local @!p0 [hbm:s6], $0xF7A  }
0x23: {  	s9 =	sor.u32 $0xD0000000, s2;
	s6 =	simm.s32 $0x108;
	_ =	swait.ge @!p0 [sflag:s8], $0x0  }
0x24: {  	s3 =	sadd.s32 $0x88, s3;
	s6 =	simm.s32 @!p1 $0x1082;
	[sflag:s4] =	ssyncset.s32 $0xFFFFF086  }
0x25: {  	[simem:s6], [sflag:s4] =	dma.local [hbm:s3], $0xF7A  }
0x26: {  	[smem:$0x3F9F] =	sst s1;
	(tag) =	ssettag s2;
	_ =	strace s9  }
0x27: {  	s1 =	sld [smem:$0x3FAF]  }
0x28: {  	s2 =	sld [smem:$0x3FB0]  }
0x29: {  	s4 =	sld [smem:$0x3FB2]  }
0x2a: {  	p0 =	seq.s32 s5, $0x0;
	s5 =	sld [smem:$0x3FB3]  }
0x2b: {  	s6 =	sld [smem:$0x3FB4]  }
0x2c: {  	s7 =	sld [smem:$0x3FB5]  }
0x2d: {  	s3 =	simm.s32 $0x108;
	s8 =	sld [smem:$0x3FB6]  }
0x2e: {  	s3 =	simm.s32 @!p0 $0x1082;
	s9 =	sld [smem:$0x3FB7]  }
0x2f: {  	lr =	sadd.s32 s0, s3;
	s0 =	sld [smem:$0x3FAE]  }
0x30: {  	s3 =	sld [smem:$0x3FB1]  }
0x31: {  	[smem:$0x3FBA] =	sst s10  }
0x32: {  	s10 =	sld [smem:$0x3FB8];
	_ =	sdelay $0x3  }
0x33: {  	p0 =	seq.s32 s10, $0x1;
	s10 =	sld [smem:$0x3FBA];
	_ =	sdelay $0x3  }
0x34: {  	[smem:$0x3FBA] =	sst s10  }
0x35: {  	s10 =	sld [smem:$0x3FB9];
	_ =	sdelay $0x3  }
0x36: {  	p1 =	seq.s32 s10, $0x1;
	s10 =	sld [smem:$0x3FBA];
	_ =	sdelay $0x3  }
0x37: {  	[smem:$0x3FBA] =	sst s10  }
0x38: {  	s10 =	sld [smem:$0x3FBB]  }
0x39: {  	_ = 	snop;
	(pc) =	sbr.ind lr, $3  }
0x3a: {  	_ = 	snop  }
0x3b: {  	_ = 	snop  }
0x3c: {  	p2 =	seq.s32 s10, $0x1;
	s10 =	sld [smem:$0x3FBA]  }
0x3d: {  	_ =	shalt  }
0x3e: {  	_ =	shalt  }
0x3f: {  	_ =	shalt  }
0x40: {  	_ =	shalt  }
0x41: {  	_ =	shalt  }
0x42: {  	_ =	shalt  }
0x43: {  	_ =	shalt  }
0x44: {  	_ =	shalt  }
0x45: {  	_ =	shalt  }
0x46: {  	_ =	shalt  }
0x47: {  	_ =	shalt  }
0x48: {  	_ =	shalt  }
0x49: {  	_ =	shalt  }
0x4a: {  	_ =	shalt  }
0x4b: {  	_ =	shalt  }
0x4c: {  	_ =	shalt  }
0x4d: {  	_ =	shalt  }
0x4e: {  	_ =	shalt  }
0x4f: {  	_ =	shalt  }
0x50: {  	_ =	shalt  }
0x51: {  	_ =	shalt  }
0x52: {  	_ =	shalt  }
0x53: {  	_ =	shalt  }
0x54: {  	_ =	shalt  }
0x55: {  	_ =	shalt  }
0x56: {  	_ =	shalt  }
0x57: {  	_ =	shalt  }
0x58: {  	_ =	shalt  }
0x59: {  	_ =	shalt  }
0x5a: {  	_ =	shalt  }
0x5b: {  	_ =	shalt  }
0x5c: {  	_ =	shalt  }
0x5d: {  	_ =	shalt  }
0x5e: {  	_ =	shalt  }
0x5f: {  	_ =	shalt  }
0x60: {  	_ =	shalt  }
0x61: {  	_ =	shalt  }
0x62: {  	_ =	shalt  }
0x63: {  	_ =	shalt  }
0x64: {  	_ =	shalt  }
0x65: {  	_ =	shalt  }
0x66: {  	_ =	shalt  }
0x67: {  	_ =	shalt  }
0x68: {  	_ =	shalt  }
0x69: {  	_ =	shalt  }
0x6a: {  	_ =	shalt  }
0x6b: {  	_ =	shalt  }
0x6c: {  	_ =	shalt  }
0x6d: {  	_ =	shalt  }
0x6e: {  	_ =	shalt  }
0x6f: {  	_ =	shalt  }
0x70: {  	_ =	shalt  }
0x71: {  	_ =	shalt  }
0x72: {  	_ =	shalt  }
0x73: {  	_ =	shalt  }
0x74: {  	_ =	shalt  }
0x75: {  	_ =	shalt  }
0x76: {  	_ =	shalt  }
0x77: {  	_ =	shalt  }
0x78: {  	_ =	shalt  }
0x79: {  	_ =	shalt  }
0x7a: {  	_ =	shalt  }
0x7b: {  	_ =	shalt  }
0x7c: {  	_ =	shalt  }
0x7d: {  	_ =	shalt  }
0x7e: {  	_ =	shalt  }
0x7f: {  	_ =	shalt  }
0x80: {  	_ =	shalt  }
0x81: {  	_ =	shalt  }
0x82: {  	_ =	shalt  }
0x83: {  	_ =	shalt  }
0x84: {  	_ =	shalt  }
0x85: {  	_ =	shalt  }
0x86: {  	_ =	shalt  }
0x87: {  	_ =	shalt  }
.Lfunc_end0:
.L_simem_size_0:
called_computation.1_lowered:
.L_overlay_start_0:
0x88: {  	s2 =	sld [smem:$0x3FD9]  }
0x89: {  	s3 =	sld [smem:$0x3FFE];
	_ =	sdelay $0x1  }
0x8a: {  	s1 =	srdreg.scid  }
0x8b: {  	s0 =	sand.u32 $0x1, s1  }
0x8c: {  	s17 =	sshll.u32 s0, $0xA;
	s2 =	sadd.s32 s3, s2  }
0x8d: {  	s2 =	sadd.s32 s2, s17  }
0x8e: {  	[smem:$0x3FC6] =	sst s2  }
0x8f: {  	_ = 	snop  }
0x90: {  	s2 =	sld [smem:$0x3FC9];
	(tm) =	ssettm $0x1  }
0x91: {  	s18 =	sld [smem:$0x3FFB];
	_ =	sdelay $0x3  }
0x92: {  	_ =	strace s18  }
0x93: {  	s3 =	sld [smem:$0x3FFC];
	_ =	sdelay $0x3  }
0x94: {  	_ =	strace s3  }
0x95: {  	s3 =	sld [smem:$0x3FFD];
	_ =	sdelay $0x3  }
0x96: {  	_ =	strace s3  }
0x97: {  	_ =	strace $0x8FFFFFFF  }
0x98: {  	s19 =	sld [smem:$0x3FDB];
	_ =	sdelay $0x1  }
0x99: {  	s4 =	simm.s32 $_scs_section_size  }
0x9a: {  	s5 =	simm.s32 $_size__tile_overlayer_lowered;
	s6 =	simm.s32 $_tile_overlayer_lowered  }
0x9b: {  	s22 =	simm.s32 $0x1BFF;
	s21 =	sshll.u32 s6, $0x1;
	s3 =	sadd.s32 s4, s19  }
0x9c: {  	s7 =	simm.s32 $0x0;
	s20 =	sshll.u32 s5, $0x1;
	s5 =	sadd.s32 s21, s3  }
0x9d: {  	[timem:s7], [sflag:s22] =	dma.local [hbm:s5], s20  }
0x9e: {  	_ =	swait.ge [sflag:s22], s20  }
0x9f: {  	s4 =	ssub.s32 $0x0, s20;
	[sflag:s22] =	ssyncset.done $0x0  }
0xa0: {  	[sflag:s22] =	ssyncadd.s32 s4;
	_ =	sdelay $0x1  }
0xa1: {  	s23 =	simm.s32 $0x1B8B  }
0xa2: {  	_ =	swait.ge [sflag:s23], $0x1  }
0xa3: {  	[sflag:s23] =	ssyncset.done $0x0  }
0xa4: {  	s25 =	simm.s32 $0x1B8E;
	s24 =	sld [smem:$0x3FFE];
	[sflag:s23] =	ssyncadd.s32 $0xFFFFFFFF  }
0xa5: {  	s26 =	simm.s32 $execute0_lowered;
	[smem:$0x3FD2] =	sst s25  }
0xa6: {  	s5 =	sshll.u32 s26, $0x1;
	_ =	strace $0x80000046;
	[dreg:$0x1] =	wrdreg $0xFFFFFFFF  }
0xa7: {  	s28 =	simm.s32 $_size_execute0_lowered;
	s3 =	sadd.s32 s3, s5;
	[dreg:$0x0] =	wrdreg $0x0  }
0xa8: {  	s5 =	sshll.u32 s28, $0x1;
	[dreg:$0x2] =	wrdreg s3  }
0xa9: {  	[dreg:$0x3] =	wrdreg s5  }
0xaa: {  	[dreg:$0x4] =	wrdreg $0xC0  }
0xab: {  	_ =	task [dreg:s7], $0x5FFFF  }
0xac: {  	[dreg:$0x1] =	wrdreg $0xFFFFFFFF  }
0xad: {  	[dreg:$0x0] =	wrdreg $0x60  }
0xae: {  	[dreg:$0x2] =	wrdreg s2  }
0xaf: {  	[dreg:$0x3] =	wrdreg s24  }
0xb0: {  	[dreg:$0x4] =	wrdreg $0x9  }
0xb1: {  	_ =	task.clear_ibuf [dreg:s7], $0x5FFFF;
	_ =	strace $0x90000046  }
0xb2: {  	s29 =	simm.s32 $0x9;
	_ =	strace $0x80000048  }
0xb3: {  	_ =	swait.ge [sflag:s29], $0x1  }
0xb4: {  	[sflag:s29] =	ssyncadd.s32 $0xFFFFFFFF  }
0xb5: {  	_ =	strace $0x90000048  }
0xb6: {  	_ =	sfence  }
0xb7: {  	s30 =	sld [smem:$0x0];
	_ =	sdelay $0x2  }
0xb8: {  	s31 =	sshll.u32 s1, $0xD;
	s1 =	sshrl.u32 s1, $0x2  }
0xb9: {  	s3 =	sand.u32 $0x4000, s31;
	s1 =	sadd.s32 s1, s30  }
0xba: {  	s0 =	sor.u32 s3, s0;
	s1 =	sshll.u32 s1, $0x11  }
0xbb: {  	s0 =	sor.u32 s1, s0  }
0xbc: {  	s0 =	sadd.s32 $0x8F2B, s0  }
0xbd: {  	[sflag:s0] =	ssyncadd.remote.s32 $0x1  }
0xbe: {  	_ =	sfence.sel $0xFFFF  }
0xbf: {  	[dreg:$0x0] =	wrdreg $0xFFFFFFFF;
	(pc) =	sbr.abs _section_cstart, $3  }
0xc0: {  	[dreg:$0x1] =	wrdreg $0xFFFFFFFF  }
0xc1: {  	_ =	task.clear_ibuf [dreg:s7], $0x2FFFF;
	_ =	strace $0x9FFFFFFF  }
0xc2: {  	(tm) =	ssettm $0x7FFFFFFF  }
0xc3: {  	_ =	shalt  }
tec
execute0_lowered:
.L_overlay_start_1:
0x0: {  	(tag) =	ssettag $0x1  }
0x1: {  	s3 =	rddreg [dreg:$0x0]  }
0x2: {  	s4 =	rddreg [dreg:$0x1]  }
0x3: {  	s0 =	rddreg [dreg:$0x2]  }
0x4: {  	s5 =	srdreg.scid;
	s1 =	stileid.u32;
	s2 =	simm.s32 $0x0  }
0x5: {  	s12 =	simm.s32 $0x19300;
	s13 =	simm.s32 $0xC800;
	s14 =	simm.s32 $0x12D00  }
0x6: {  	s15 =	simm.s32 $0x19280;
	s5 =	sand.u32 $0x1, s5;
	s6 =	sshll.u32 s1, $0x1  }
0x7: {  	[smem:$0x7FF] =	sst s2;
	s10 =	smul.u32 $0xC800, s1;
	s6 =	sor.u32 s5, s6  }
0x8: {  	s16 =	simm.s32 $0x0;
	_ =	strace $0x80000047;
	s7 =	smul.u32 $0xCA0, s6  }
0x9: {  	s9 =	ssub.s32 $0x2, s5;
	s8 =	sshll.u32 s6, $0x2;
	s6 =	smul.u32 $0x6400, s6  }
0xa: {  	s11 =	smul.u32 $0x6400, s5;
	s30 =	sshrl.u32 s9, $0x1;
	s8 =	sadd.s32 s8, s4  }
0xb: {  	s9 =	ssub.s32 s9, s30;
	s7 =	sadd.s32 s7, s4;
	s31 =	sshrl.u32 s6, $0x3  }
0xc: {  	s6 =	sadd.s32 $0x33C00, s8;
	s3 =	sadd.s32 s3, s31;
	s4 =	sadd.s32 $0x1000, s7  }
0xd: {  	s5 =	sadd.s32 $0x1A600, s7;
	s7 =	sadd.s32 $0x33E00, s8;
	s8 =	smax.u32 s9, $0x1  }
0xe: {  	v0 =	vimm.s32 $0x0;
	v1 =	vlaneseq.u32;
	s9 =	sadd.s32 s11, s10;
	s10 =	simm.s32 $0x1;
	s11 =	simm.s32 $0x19200  }
.LBB2_1:
0xf: {  	[tilespmem:s2], [sflag:$0x1] =	stream.linear.gather [hbm4b:s3+s2], $0x6400, $0x38;
	[tilespmem:$0x19380] =	vst v63  }
0x10: {  	_ =	swait.ge [sflag:s10], $0x6400  }
0x11: {  	[sflag:s10] =	ssyncset.done $0x0  }
0x12: {  	[sflag:s10] =	ssyncadd.s32 $0xFFFF9C00  }
0x13: {  	[tilespmem:$0x19200] =	vst v0  }
0x14: {  	s17 =	simm.s32 $0x0;
	[tilespmem:$0x19210] =	vst v0  }
0x15: {  	v2 =	vld [tilespmem:s17+$0x0];
	_ =	sdelay $0x4  }
0x16: {  	v2 =	vshrl.u32 v2, $0xF  }
0x17: {  	(xrf1) =	vunique.msk.u32 $0xffff, v2;
	_ =	sdelay $0xb  }
0x18: {  	[tilespmem:s17+$0x6400] =	vst v2  }
0x19: {  	v3 =	vld.idx.msk [tilespmem:v2+s11+$0x0], $0xffff  }
0x1a: {  	_, v4, vm0 =	vpop (xrf1);
	_ =	sdelay $0x3  }
0x1b: {  	s18 =	simm.s32 $0x80;
	s17 =	simm.s32 $0x40;
	v3 =	vadd.s32 v3, v4  }
.LBB2_2:
0x1c: {  	p0 =	sne.s32 s18, $0x18FC0  }
0x1d: {  	s19 =	sshra.s32 s17, $0x2;
	[tilespmem:v2+s11+$0x0] =	vst.idx.msk vm0, v3;
	s17 =	smov.u32 s18;
	s18 =	sadd.s32 $0x40, s18  }
0x1e: {  	v2 =	vld [tilespmem:s19+$0x0];
	_ =	sdelay $0x4  }
0x1f: {  	v2 =	vshrl.u32 v2, $0xF  }
0x20: {  	(xrf1) =	vunique.msk.u32 $0xffff, v2;
	_ =	sdelay $0xb  }
0x21: {  	[tilespmem:s19+$0x6400] =	vst v2  }
0x22: {  	v3 =	vld.idx.msk [tilespmem:v2+s11+$0x0], $0xffff  }
0x23: {  	_, v4, vm0 =	vpop (xrf1)  }
.Ltmp0:
0x24: {  	(pc) =	sbr.rel @p0 .LBB2_2-.Ltmp0, $2  }
0x25: {  	_ =	sdelay $0x2  }
0x26: {  	v3 =	vadd.s32 v3, v4  }
0x27: {  	_ =	sdelay $0x4  }
0x28: {  	s17 =	sshra.s32 s17, $0x2;
	[tilespmem:v2+s11+$0x0] =	vst.idx.msk vm0, v3  }
0x29: {  	v2 =	vld [tilespmem:s17+$0x0];
	_ =	sdelay $0x4  }
0x2a: {  	v2 =	vshrl.u32 v2, $0xF  }
0x2b: {  	(xrf1) =	vunique.msk.u32 $0xffff, v2;
	_ =	sdelay $0xc  }
0x2c: {  	[tilespmem:s17+$0x6400] =	vst v2  }
0x2d: {  	v3 =	vld.idx.msk [tilespmem:v2+s11+$0x0], $0xffff;
	_, v4, vm14 =	vpop (xrf1);
	_ =	sdelay $0x4  }
0x2e: {  	v3 =	vadd.s32 v3, v4  }
0x2f: {  	[tilespmem:v2+s11+$0x0] =	vst.idx.msk vm14, v3  }
0x30: {  	v2 =	vld [tilespmem:$0x19200]  }
0x31: {  	v3 =	vld [tilespmem:$0x19210];
	_ =	sdelay $0x3  }
0x32: {  	v2 =	vadd.s32 $0x7, v2  }
0x33: {  	v3 =	vadd.s32 $0x7, v3;
	v2 =	vand.u32 $0xFFFFFFF8, v2  }
0x34: {  	v3 =	vand.u32 $0xFFFFFFF8, v3;
	(xrf0) =	vadd.scan.msk.s32 $0xffff, v2  }
0x35: {  	(xrf0) =	vadd.scan.msk.s32 $0xffff, v3;
	_ =	sdelay $0x4  }
0x36: {  	v4, _, _ =	vpop (xrf0)  }
0x37: {  	v5, _, _ =	vpop (xrf0);
	v6 =	vbroadcast v4, $0xF;
	v2 =	vsub.s32 v4, v2  }
0x38: {  	v3 =	vsub.s32 v5, v3;
	[tilespmem:$0x19280] =	vst v2  }
0x39: {  	[tilespmem:$0x19300] =	vst v2;
	v3 =	vadd.s32 v6, v3  }
0x3a: {  	[tilespmem:$0x19290] =	vst v3  }
0x3b: {  	s30 =	simm.s32 $0x0;
	[tilespmem:$0x19310] =	vst v3  }
0x3c: {  	v2 =	vld [tilespmem:s30+$0x6400];
	_ =	sdelay $0x4  }
0x3d: {  	(xrf1) =	vunique.msk.u32 $0xffff, v2;
	_ =	sdelay $0x9  }
0x3e: {  	v3 =	vld.idx.msk [tilespmem:v2+s12+$0x0], $0xffff;
	_ =	sdelay $0x3  }
0x3f: {  	_, v4, vm15 =	vpop (xrf1)  }
0x40: {  	v3 =	vadd.s32 v3, v4  }
0x41: {  	v4 =	vld [tilespmem:s30+$0x0];
	v5 =	vadd.s32 $0xFFFFFFFF, v3;
	_ =	sdelay $0x4  }
0x42: {  	v63 =	vor.u32 s9, v1;
	[tilespmem:v5+s13+$0x0] =	vst.idx.msk $0xffff, v4  }
0x43: {  	[tilespmem:v5+s14+$0x0] =	vst.idx.msk $0xffff, v63  }
0x44: {  	s31 =	simm.s32 $0x10;
	[tilespmem:v2+s12+$0x0] =	vst.idx.msk vm15, v3  }
0x45: {  	v2 =	vld [tilespmem:s31+$0x6400]  }
0x46: {  	s18 =	simm.s32 $0x80;
	s17 =	smov.u32 s9;
	v3 =	vld [tilespmem:s31+$0x0]  }
.LBB2_4:
0x47: {  	p0 =	sne.s32 s18, $0x18FC0;
	_ =	sdelay $0x2  }
0x48: {  	(xrf1) =	vunique.msk.u32 $0xffff, v2;
	_ =	sdelay $0x8  }
0x49: {  	v4 =	vld.idx.msk [tilespmem:v2+s12+$0x0], $0xffff;
	_ =	sdelay $0x4  }
0x4a: {  	_, v5, vm0 =	vpop (xrf1)  }
0x4b: {  	v4 =	vadd.s32 v4, v5  }
0x4c: {  	v5 =	vadd.s32 $0xFFFFFFFF, v4;
	_ =	sdelay $0x3  }
0x4d: {  	s17 =	sadd.s32 $0x10, s17  }
.Ltmp1:
0x4e: {  	v6 =	vor.u32 s17, v1;
	[tilespmem:v5+s13+$0x0] =	vst.idx.msk $0xffff, v3;
	(pc) =	sbr.rel @p0 .LBB2_4-.Ltmp1, $4  }
0x4f: {  	[tilespmem:v5+s14+$0x0] =	vst.idx.msk $0xffff, v6  }
0x50: {  	s19 =	sshra.s32 s18, $0x2;
	[tilespmem:v2+s12+$0x0] =	vst.idx.msk vm0, v4  }
0x51: {  	v2 =	vld [tilespmem:s19+$0x6400]  }
0x52: {  	s18 =	sadd.s32 $0x40, s18;
	v3 =	vld [tilespmem:s19+$0x0]  }
0x53: {  	_ =	sdelay $0x2  }
0x54: {  	(xrf1) =	vunique.msk.u32 $0xffff, v2;
	_ =	sdelay $0x9  }
0x55: {  	v4 =	vld.idx.msk [tilespmem:v2+s12+$0x0], $0xffff;
	_ =	sdelay $0x3  }
0x56: {  	_, v5, vm0 =	vpop (xrf1)  }
0x57: {  	v4 =	vadd.s32 v4, v5  }
0x58: {  	v5 =	vadd.s32 $0xFFFFFFFF, v4;
	_ =	sdelay $0x3  }
0x59: {  	s17 =	sadd.s32 $0x10, s17  }
0x5a: {  	v6 =	vor.u32 s17, v1;
	[tilespmem:v5+s13+$0x0] =	vst.idx.msk $0xffff, v3  }
0x5b: {  	[tilespmem:v5+s14+$0x0] =	vst.idx.msk $0xffff, v6  }
0x5c: {  	[tilespmem:v2+s12+$0x0] =	vst.idx.msk vm0, v4  }
0x5d: {  	[hbm4b:s4+s2] =	stream.linear.scatter [tilespmem:s13], [sflag:$0x1], $0x6500, $0x38;
	[tilespmem:$0x19380] =	vst v63  }
0x5e: {  	_ =	swait.ge [sflag:s10], $0x6500  }
0x5f: {  	[sflag:s10] =	ssyncset.done $0x0  }
0x60: {  	[sflag:s10] =	ssyncadd.s32 $0xFFFF9B00  }
0x61: {  	[hbm4b:s5+s2] =	stream.linear.scatter [tilespmem:s14], [sflag:$0x1], $0x6500, $0x38;
	[tilespmem:$0x19380] =	vst v63  }
0x62: {  	_ =	swait.ge [sflag:s10], $0x6500  }
0x63: {  	[sflag:s10] =	ssyncset.done $0x0  }
0x64: {  	[sflag:s10] =	ssyncadd.s32 $0xFFFF9B00  }
0x65: {  	[hbm4b:s6+s2] =	stream.linear.scatter [tilespmem:s11], [sflag:$0x1], $0x20, $0x38;
	[tilespmem:$0x19380] =	vst v63  }
0x66: {  	s16 =	sadd.s32 $0x1, s16;
	_ =	swait.ge [sflag:s10], $0x20  }
0x67: {  	p0 =	sne.s32 s16, s8;
	[sflag:s10] =	ssyncset.done $0x0  }
.Ltmp2:
0x68: {  	[sflag:s10] =	ssyncadd.s32 $0xFFFFFFE0;
	(pc) =	sbr.rel @p0 .LBB2_1-.Ltmp2, $4  }
0x69: {  	[hbm4b:s7+s2] =	stream.linear.scatter [tilespmem:s15], [sflag:$0x1], $0x20, $0x38;
	[tilespmem:$0x19380] =	vst v63  }
0x6a: {  	_ =	swait.ge [sflag:s10], $0x20  }
0x6b: {  	[sflag:s10] =	ssyncset.done $0x0  }
0x6c: {  	[sflag:s10] =	ssyncadd.s32 $0xFFFFFFE0  }
0x6d: {  	_ =	sfence.sel $0x180000  }
0x6e: {  	[bflag:$0x0] =	sbarrier.arrive $0xFFFF  }
0x6f: {  	p0 =	sne.s32 s1, $0x0;
	_ =	strace $0x90000047  }
0x70: {  	s0 =	sadd.s32 @!p0 $0x100000, s0;
	[bflag:$0x2] =	sbarrier.arrive $0xFFFF  }
0x71: {  	[sflag:s0] =	ssyncadd.tile.s32 @!p0 $0x1;
	_ =	shalt  }
.Lfunc_end2:
_tile_overlayer_lowered:
.L_overlay_start_2:
0x72: {  	(tag) =	ssettag $0x2  }
0x73: {  	s0 =	rddreg [dreg:$0x0];
	s2 =	stileid.u32  }
0x74: {  	s1 =	rddreg [dreg:$0x1];
	p0 =	sne.s32 s2, $0x0  }
0x75: {  	s3 =	rddreg [dreg:$0x2];
	[bflag:$0x3] =	sbarrier.arrive $0xFFFF;
	s2 =	simm.s32 @!p0 $0x1C01  }
0x76: {  	[timem:s3], [sflag:s2] =	dma.local @!p0 [hbm:s0], s1  }
0x77: {  	s0 =	simm.s32 @!p0 $0x1  }
0x78: {  	_ =	swait.ge @!p0 [sflag:s0], s1  }
0x79: {  	s1 =	ssub.s32 @!p0 $0x0, s1;
	[sflag:s0] =	ssyncset.done @!p0 $0x0  }
0x7a: {  	[sflag:s0] =	ssyncadd.s32 @!p0 s1  }
0x7b: {  	[bflag:$0x3] =	sbarrier.arrive $0xFFFF  }
0x7c: {  	_ =	shalt  }

// kernel: kernel.7.cloned.1.call-start
scs
__scs_entry_jumppad:
0x0: {  	(pc) =	sbr.rel $0x88, $3  }
0x1: {  	(tag) =	ssettag $0x0;
	lr =	simm.s32 $0x1  }
0x2: {  	[smem:$0x3F9F] =	sst lr;
	_ =	strace $0xD0000000  }
0x3: {  	_ = 	snop  }
0x4: {  	_ = 	snop  }
0x5: {  	_ = 	snop  }
0x6: {  	_ = 	snop  }
0x7: {  	_ = 	snop  }
__scs_overlays_trampoline_lowered:
0x8: {  	[smem:$0x3FAE] =	sst s0  }
0x9: {  	[smem:$0x3FAF] =	sst s1  }
0xa: {  	[smem:$0x3FB0] =	sst s2  }
0xb: {  	[smem:$0x3FB1] =	sst s3  }
0xc: {  	[smem:$0x3FB2] =	sst s4  }
0xd: {  	[smem:$0x3FB3] =	sst s5  }
0xe: {  	[smem:$0x3FB4] =	sst s6  }
0xf: {  	[smem:$0x3FB5] =	sst s7  }
0x10: {  	[smem:$0x3FB6] =	sst s8  }
0x11: {  	[smem:$0x3FB7] =	sst s9;
	s0 =	simm.s32 @!p0 $0x0  }
0x12: {  	s1 =	sld [smem:$0x3F9D];
	s0 =	simm.s32 @p0 $0x1  }
0x13: {  	[smem:$0x3FB8] =	sst s0;
	s0 =	simm.s32 @!p1 $0x0  }
0x14: {  	s2 =	sld [smem:$0x3F9C];
	s0 =	simm.s32 @p1 $0x1  }
0x15: {  	[smem:$0x3FB9] =	sst s0;
	s0 =	simm.s32 @!p2 $0x0  }
0x16: {  	s3 =	sld [smem:$0x3FDB];
	s0 =	simm.s32 @p2 $0x1  }
0x17: {  	s4 =	simm.s32 $0x1BF5;
	[smem:$0x3FBB] =	sst s0  }
0x18: {  	s0 =	sld [smem:$0x3F9E];
	_ =	swait.ge [sflag:s4], $0x0  }
0x19: {  	s7 =	sld [smem:$0x3F9F]  }
0x1a: {  	s8 =	sadd.s32 $0xFFFFE003, lr  }
0x1b: {  	s9 =	sadd.s32 $0xFFFFFEF7, lr;
	s5 =	simm.s32 $0xFFFFFFFF;
	p2 =	slt.u32 s8, $0xFFFFF086  }
0x1c: {  	p1 =	slt.u32 s9, $0xF7A;
	s5 =	simm.s32 @!p2 $0x0  }
0x1d: {  	s5 =	simm.s32 @p1 $0x1;
	p0 =	seq.s32 s7, s2  }
0x1e: {  	s7 =	smul.u32 @!p0 $0xF7A, s2;
	p2 =	seq.s32 @!p0 s5, $0x0  }
0x1f: {  	s9 =	smul.u32 $0xF7A, s1;
	s8 =	simm.s32 @!p0 $0x1BF5;
	p2 =	por !p2, p0  }
0x20: {  	[sflag:s8] =	ssyncset.s32 @!p0 $0xFFFFF086;
	s6 =	sadd.s32 @!p0 s3, s7;
	s7 =	simm.s32 @!p0 $0x108  }
0x21: {  	s3 =	sadd.s32 s3, s9;
	s6 =	sadd.s32 @!p0 $0x88, s6;
	s7 =	simm.s32 @p2 $0x1082  }
0x22: {  	[simem:s7], [sflag:s8] =	dma.local @!p0 [hbm:s6], $0xF7A  }
0x23: {  	s9 =	sor.u32 $0xD0000000, s2;
	s6 =	simm.s32 $0x108;
	_ =	swait.ge @!p0 [sflag:s8], $0x0  }
0x24: {  	s3 =	sadd.s32 $0x88, s3;
	s6 =	simm.s32 @!p1 $0x1082;
	[sflag:s4] =	ssyncset.s32 $0xFFFFF086  }
0x25: {  	[simem:s6], [sflag:s4] =	dma.local [hbm:s3], $0xF7A  }
0x26: {  	[smem:$0x3F9F] =	sst s1;
	(tag) =	ssettag s2;
	_ =	strace s9  }
0x27: {  	s1 =	sld [smem:$0x3FAF]  }
0x28: {  	s2 =	sld [smem:$0x3FB0]  }
0x29: {  	s4 =	sld [smem:$0x3FB2]  }
0x2a: {  	p0 =	seq.s32 s5, $0x0;
	s5 =	sld [smem:$0x3FB3]  }
0x2b: {  	s6 =	sld [smem:$0x3FB4]  }
0x2c: {  	s7 =	sld [smem:$0x3FB5]  }
0x2d: {  	s3 =	simm.s32 $0x108;
	s8 =	sld [smem:$0x3FB6]  }
0x2e: {  	s3 =	simm.s32 @!p0 $0x1082;
	s9 =	sld [smem:$0x3FB7]  }
0x2f: {  	lr =	sadd.s32 s0, s3;
	s0 =	sld [smem:$0x3FAE]  }
0x30: {  	s3 =	sld [smem:$0x3FB1]  }
0x31: {  	[smem:$0x3FBA] =	sst s10  }
0x32: {  	s10 =	sld [smem:$0x3FB8];
	_ =	sdelay $0x3  }
0x33: {  	p0 =	seq.s32 s10, $0x1;
	s10 =	sld [smem:$0x3FBA];
	_ =	sdelay $0x3  }
0x34: {  	[smem:$0x3FBA] =	sst s10  }
0x35: {  	s10 =	sld [smem:$0x3FB9];
	_ =	sdelay $0x3  }
0x36: {  	p1 =	seq.s32 s10, $0x1;
	s10 =	sld [smem:$0x3FBA];
	_ =	sdelay $0x3  }
0x37: {  	[smem:$0x3FBA] =	sst s10  }
0x38: {  	s10 =	sld [smem:$0x3FBB]  }
0x39: {  	_ = 	snop;
	(pc) =	sbr.ind lr, $3  }
0x3a: {  	_ = 	snop  }
0x3b: {  	_ = 	snop  }
0x3c: {  	p2 =	seq.s32 s10, $0x1;
	s10 =	sld [smem:$0x3FBA]  }
0x3d: {  	_ =	shalt  }
0x3e: {  	_ =	shalt  }
0x3f: {  	_ =	shalt  }
0x40: {  	_ =	shalt  }
0x41: {  	_ =	shalt  }
0x42: {  	_ =	shalt  }
0x43: {  	_ =	shalt  }
0x44: {  	_ =	shalt  }
0x45: {  	_ =	shalt  }
0x46: {  	_ =	shalt  }
0x47: {  	_ =	shalt  }
0x48: {  	_ =	shalt  }
0x49: {  	_ =	shalt  }
0x4a: {  	_ =	shalt  }
0x4b: {  	_ =	shalt  }
0x4c: {  	_ =	shalt  }
0x4d: {  	_ =	shalt  }
0x4e: {  	_ =	shalt  }
0x4f: {  	_ =	shalt  }
0x50: {  	_ =	shalt  }
0x51: {  	_ =	shalt  }
0x52: {  	_ =	shalt  }
0x53: {  	_ =	shalt  }
0x54: {  	_ =	shalt  }
0x55: {  	_ =	shalt  }
0x56: {  	_ =	shalt  }
0x57: {  	_ =	shalt  }
0x58: {  	_ =	shalt  }
0x59: {  	_ =	shalt  }
0x5a: {  	_ =	shalt  }
0x5b: {  	_ =	shalt  }
0x5c: {  	_ =	shalt  }
0x5d: {  	_ =	shalt  }
0x5e: {  	_ =	shalt  }
0x5f: {  	_ =	shalt  }
0x60: {  	_ =	shalt  }
0x61: {  	_ =	shalt  }
0x62: {  	_ =	shalt  }
0x63: {  	_ =	shalt  }
0x64: {  	_ =	shalt  }
0x65: {  	_ =	shalt  }
0x66: {  	_ =	shalt  }
0x67: {  	_ =	shalt  }
0x68: {  	_ =	shalt  }
0x69: {  	_ =	shalt  }
0x6a: {  	_ =	shalt  }
0x6b: {  	_ =	shalt  }
0x6c: {  	_ =	shalt  }
0x6d: {  	_ =	shalt  }
0x6e: {  	_ =	shalt  }
0x6f: {  	_ =	shalt  }
0x70: {  	_ =	shalt  }
0x71: {  	_ =	shalt  }
0x72: {  	_ =	shalt  }
0x73: {  	_ =	shalt  }
0x74: {  	_ =	shalt  }
0x75: {  	_ =	shalt  }
0x76: {  	_ =	shalt  }
0x77: {  	_ =	shalt  }
0x78: {  	_ =	shalt  }
0x79: {  	_ =	shalt  }
0x7a: {  	_ =	shalt  }
0x7b: {  	_ =	shalt  }
0x7c: {  	_ =	shalt  }
0x7d: {  	_ =	shalt  }
0x7e: {  	_ =	shalt  }
0x7f: {  	_ =	shalt  }
0x80: {  	_ =	shalt  }
0x81: {  	_ =	shalt  }
0x82: {  	_ =	shalt  }
0x83: {  	_ =	shalt  }
0x84: {  	_ =	shalt  }
0x85: {  	_ =	shalt  }
0x86: {  	_ =	shalt  }
0x87: {  	_ =	shalt  }
.Lfunc_end0:
.L_simem_size_0:
called_computation.2_lowered:
.L_overlay_start_0:
0x88: {  	s2 =	sld [smem:$0x3FD9]  }
0x89: {  	s3 =	sld [smem:$0x3FFE];
	_ =	sdelay $0x1  }
0x8a: {  	s1 =	srdreg.scid  }
0x8b: {  	s0 =	sand.u32 $0x1, s1  }
0x8c: {  	s17 =	sshll.u32 s0, $0xA;
	s2 =	sadd.s32 s3, s2  }
0x8d: {  	s2 =	sadd.s32 s2, s17  }
0x8e: {  	[smem:$0x3FC6] =	sst s2  }
0x8f: {  	_ = 	snop  }
0x90: {  	s2 =	sld [smem:$0x3FD0];
	(tm) =	ssettm $0x1  }
0x91: {  	s18 =	sld [smem:$0x3FFB];
	_ =	sdelay $0x3  }
0x92: {  	_ =	strace s18  }
0x93: {  	s3 =	sld [smem:$0x3FFC];
	_ =	sdelay $0x3  }
0x94: {  	_ =	strace s3  }
0x95: {  	s3 =	sld [smem:$0x3FFD];
	_ =	sdelay $0x3  }
0x96: {  	_ =	strace s3  }
0x97: {  	_ =	strace $0x8FFFFFFF  }
0x98: {  	s19 =	sld [smem:$0x3FDB];
	_ =	sdelay $0x1  }
0x99: {  	s4 =	simm.s32 $_scs_section_size  }
0x9a: {  	s5 =	simm.s32 $_size__tile_overlayer_lowered;
	s6 =	simm.s32 $_tile_overlayer_lowered  }
0x9b: {  	s22 =	simm.s32 $0x1BFF;
	s21 =	sshll.u32 s6, $0x1;
	s3 =	sadd.s32 s4, s19  }
0x9c: {  	s7 =	simm.s32 $0x0;
	s20 =	sshll.u32 s5, $0x1;
	s5 =	sadd.s32 s21, s3  }
0x9d: {  	[timem:s7], [sflag:s22] =	dma.local [hbm:s5], s20  }
0x9e: {  	_ =	swait.ge [sflag:s22], s20  }
0x9f: {  	s4 =	ssub.s32 $0x0, s20;
	[sflag:s22] =	ssyncset.done $0x0  }
0xa0: {  	[sflag:s22] =	ssyncadd.s32 s4;
	_ =	sdelay $0x1  }
0xa1: {  	s23 =	simm.s32 $0x1B8B  }
0xa2: {  	_ =	swait.ge [sflag:s23], $0x1  }
0xa3: {  	[sflag:s23] =	ssyncset.done $0x0  }
0xa4: {  	s25 =	simm.s32 $0x1B8E;
	s24 =	sld [smem:$0x3FFE];
	[sflag:s23] =	ssyncadd.s32 $0xFFFFFFFF  }
0xa5: {  	s26 =	simm.s32 $execute0_lowered;
	[smem:$0x3FD2] =	sst s25  }
0xa6: {  	s5 =	sshll.u32 s26, $0x1;
	_ =	strace $0x80000049;
	[dreg:$0x1] =	wrdreg $0xFFFFFFFF  }
0xa7: {  	s28 =	simm.s32 $_size_execute0_lowered;
	s3 =	sadd.s32 s3, s5;
	[dreg:$0x0] =	wrdreg $0x0  }
0xa8: {  	s5 =	sshll.u32 s28, $0x1;
	[dreg:$0x2] =	wrdreg s3  }
0xa9: {  	[dreg:$0x3] =	wrdreg s5  }
0xaa: {  	[dreg:$0x4] =	wrdreg $0xC0  }
0xab: {  	_ =	task [dreg:s7], $0x5FFFF  }
0xac: {  	[dreg:$0x1] =	wrdreg $0xFFFFFFFF  }
0xad: {  	[dreg:$0x0] =	wrdreg $0x60  }
0xae: {  	[dreg:$0x2] =	wrdreg s24  }
0xaf: {  	[dreg:$0x3] =	wrdreg s2  }
0xb0: {  	[dreg:$0x4] =	wrdreg $0x6EE00  }
0xb1: {  	[dreg:$0x5] =	wrdreg $0x9  }
0xb2: {  	_ =	task.clear_ibuf [dreg:s7], $0x6FFFF;
	_ =	strace $0x90000049  }
0xb3: {  	s29 =	simm.s32 $0x9;
	_ =	strace $0x8000004B  }
0xb4: {  	_ =	swait.ge [sflag:s29], $0x1  }
0xb5: {  	[sflag:s29] =	ssyncadd.s32 $0xFFFFFFFF  }
0xb6: {  	_ =	strace $0x9000004B  }
0xb7: {  	_ =	sfence  }
0xb8: {  	s30 =	sld [smem:$0x0];
	_ =	sdelay $0x2  }
0xb9: {  	s31 =	sshll.u32 s1, $0xD;
	s1 =	sshrl.u32 s1, $0x2  }
0xba: {  	s3 =	sand.u32 $0x4000, s31;
	s1 =	sadd.s32 s1, s30  }
0xbb: {  	s0 =	sor.u32 s3, s0;
	s1 =	sshll.u32 s1, $0x11  }
0xbc: {  	s0 =	sor.u32 s1, s0  }
0xbd: {  	s0 =	sadd.s32 $0x8F2B, s0  }
0xbe: {  	[sflag:s0] =	ssyncadd.remote.s32 $0x1  }
0xbf: {  	_ =	sfence.sel $0xFFFF  }
0xc0: {  	[dreg:$0x0] =	wrdreg $0xFFFFFFFF;
	(pc) =	sbr.abs _section_cstart, $3  }
0xc1: {  	[dreg:$0x1] =	wrdreg $0xFFFFFFFF  }
0xc2: {  	_ =	task.clear_ibuf [dreg:s7], $0x2FFFF;
	_ =	strace $0x9FFFFFFF  }
0xc3: {  	(tm) =	ssettm $0x7FFFFFFF  }
tec
execute0_lowered:
.L_overlay_start_1:
0x0: {  	(tag) =	ssettag $0x1  }
0x1: {  	s0 =	rddreg [dreg:$0x0]  }
0x2: {  	s1 =	rddreg [dreg:$0x1]  }
0x3: {  	s3 =	rddreg [dreg:$0x2]  }
0x4: {  	s4 =	simm.s32 $0x0;
	s15 =	stileid.u32;
	s2 =	srdreg.scid  }
0x5: {  	s28 =	simm.s32 $0x80;
	s29 =	simm.s32 $0x180;
	s30 =	simm.s32 $0x1  }
0x6: {  	s31 =	simm.s32 $0x100;
	[smem:$0x7FF] =	sst s4;
	s8 =	smul.u32 $0x40080, s15  }
0x7: {  	s5 =	sadd.s32 $0x1000, s0;
	s6 =	sadd.s32 $0x1A600, s0;
	s7 =	sand.u32 $0x1, s2  }
0x8: {  	s24 =	sadd.s32 $0x33C00, s0;
	s9 =	sadd.s32 $0x33E00, s0;
	s11 =	sadd.s32 $0xCB4000, s0  }
0x9: {  	s14 =	sshll.u32 s15, $0x6;
	s19 =	smul.u32 $0xCA00, s15;
	s16 =	sshll.u32 s15, $0xB  }
0xa: {  	s20 =	sshll.u32 s15, $0x10;
	_ =	strace $0x8000004A;
	[dreg:$0x4] =	wrdreg s24  }
0xb: {  	s25 =	ssub.s32 $0x2, s7;
	[dreg:$0x5] =	wrdreg s9;
	s21 =	sshll.u32 s7, $0xF  }
0xc: {  	s17 =	sor.u32 $0x20, s14;
	s18 =	sadd.s32 s20, s3;
	s23 =	sshll.u32 s7, $0x11  }
0xd: {  	s24 =	sshll.u32 s15, $0xD;
	s8 =	sshrl.u32 s8, $0x2;
	s26 =	sshrl.u32 s25, $0x1  }
0xe: {  	s22 =	sor.u32 s21, s16;
	s21 =	smov.u32 s19;
	s10 =	sadd.s32 s8, s3  }
.Ltmp0:
0xf: {  	s9 =	ssub.s32 s25, s26;
	s2 =	ssub.s32 $0xF4240, s22;
	(pc) =	sbr.rel .LBB2_1-.Ltmp0, $4  }
0x10: {  	v0 =	vlaneseq.u32;
	s25 =	sadd.s32 $0x6500, s19;
	s26 =	sor.u32 s24, s23;
	[dreg:$0x6] =	wrdreg s2  }
0x11: {  	v1 =	vimm.f32 $0.0e+00;
	v2 =	vor.u32 $0x8000, v0;
	v3 =	vor.u32 $0x10, v0;
	s24 =	simm.s32 $0x2;
	s12 =	sadd.s32 $0x5560, s10;
	[dreg:$0x8] =	wrdreg s25  }
0x12: {  	v4 =	vor.u32 $0x20, v0;
	v5 =	vor.u32 $0x30, v0;
	v6 =	vor.u32 $0x40, v0;
	s13 =	sadd.s32 $0xAAC0, s10;
	s0 =	smax.u32 s9, $0x1;
	[dreg:$0x9] =	wrdreg s26  }
0x13: {  	v7 =	vor.u32 $0x50, v0;
	v8 =	vor.u32 $0x60, v0;
	v9 =	vor.u32 $0x70, v0;
	s26 =	simm.s32 $0x1980;
	s2 =	simm.s32 $0x0;
	[dreg:$0x7] =	wrdreg s0  }
.LBB2_19:
0x14: {  	s2 =	rddreg [dreg:$0xa]  }
0x15: {  	s0 =	rddreg [dreg:$0x7];
	s2 =	sadd.s32 $0x1, s2  }
0x16: {  	p0 =	sne.s32 s2, s0  }
.Ltmp1:
0x17: {  	_ = 	snop;
	(pc) =	sbr.rel @!p0 .LBB2_20-.Ltmp1, $1  }
0x18: {  	_ =	sdelay $0x3  }
.LBB2_1:
0x19: {  	[dreg:$0xa] =	wrdreg s2  }
0x1a: {  	s0 =	rddreg [dreg:$0x4];
	s22 =	simm.s32 $0x1180  }
0x1b: {  	[tilespmem:s22], [sflag:$0x2] =	stream.linear.gather [hbm4b:s0+s4], $0x400, $0x38;
	[tilespmem:$0x16F00] =	vst v63  }
0x1c: {  	_ =	swait.ge [sflag:s24], $0x400  }
0x1d: {  	[sflag:s24] =	ssyncset.done $0x0  }
0x1e: {  	s25 =	simm.s32 $0x1580;
	s23 =	rddreg [dreg:$0x5];
	[sflag:s24] =	ssyncadd.s32 $0xFFFFFC00  }
0x1f: {  	[tilespmem:s25], [sflag:$0x2] =	stream.linear.gather [hbm4b:s23+s4], $0x400, $0x38;
	[tilespmem:$0x16F00] =	vst v63  }
0x20: {  	_ =	swait.ge [sflag:s24], $0x400  }
0x21: {  	[sflag:s24] =	ssyncset.done $0x0  }
0x22: {  	s0 =	simm.s32 $0x0;
	[sflag:s24] =	ssyncadd.s32 $0xFFFFFC00  }
.LBB2_2:
0x23: {  	p0 =	sne.s32 s0, $0x15500  }
.Ltmp2:
0x24: {  	_ = 	snop;
	(pc) =	sbr.rel @p0 .LBB2_2-.Ltmp2, $4  }
0x25: {  	_ = 	snop  }
0x26: {  	s2 =	sshra.s32 s0, $0x2  }
0x27: {  	[tilespmem:s2+$0x1980] =	vst v1  }
0x28: {  	s0 =	sadd.s32 $0x80, s0;
	[tilespmem:s2+$0x1990] =	vst v1  }
.Ltmp3:
0x29: {  	(pc) =	sbr.rel .LBB2_4-.Ltmp3, $3  }
0x2a: {  	_ =	sdelay $0x1  }
0x2b: {  	s22 =	rddreg [dreg:$0x9]  }
0x2c: {  	s2 =	simm.s32 $0x0;
	s19 =	rddreg [dreg:$0x6]  }
.LBB2_13:
0x2d: {  	s0 =	sshll.u32 s0, $0x2  }
0x2e: {  	s8 =	sor.u32 $0x1C02, s14;
	s9 =	sshrl.u32 s18, $0x3;
	s0 =	sadd.s32 s1, s0  }
0x2f: {  	[hbm:s0], [sflag:s8] =	dma.local [spmem:s9], $0x2000  }
0x30: {  	_ =	swait.ge [sflag:s24], $0x2000  }
0x31: {  	[sflag:s24] =	ssyncset.done $0x0  }
0x32: {  	[sflag:s24] =	ssyncadd.s32 $0xFFFFE000  }
.LBB2_18:
0x33: {  	s2 =	sadd.s32 $0x1, s2  }
0x34: {  	p0 =	sne.s32 s2, $0x10  }
.Ltmp4:
0x35: {  	_ = 	snop;
	(pc) =	sbr.rel @!p0 .LBB2_19-.Ltmp4, $3  }
0x36: {  	_ =	sdelay $0x1  }
0x37: {  	[bflag:$0x0] =	sbarrier.arrive $0xFFFF  }
0x38: {  	s19 =	sadd.s32 $0xFFFF0000, s19;
	s22 =	sadd.s32 $0x40000, s22  }
.LBB2_4:
0x39: {  	[spmem:s10] =	stream.linear.scatter [tilespmem:s26], [sflag:$0x2], $0x5560, $0x38;
	[tilespmem:$0x16F00] =	vst v63  }
0x3a: {  	_ =	swait.ge [sflag:s24], $0x5560  }
0x3b: {  	[sflag:s24] =	ssyncset.done $0x0  }
0x3c: {  	[sflag:s24] =	ssyncadd.s32 $0xFFFFAAA0  }
0x3d: {  	[spmem:s12] =	stream.linear.scatter [tilespmem:s26], [sflag:$0x2], $0x5560, $0x38;
	[tilespmem:$0x16F00] =	vst v63  }
0x3e: {  	_ =	swait.ge [sflag:s24], $0x5560  }
0x3f: {  	[sflag:s24] =	ssyncset.done $0x0  }
0x40: {  	[sflag:s24] =	ssyncadd.s32 $0xFFFFAAA0  }
0x41: {  	[spmem:s13] =	stream.linear.scatter [tilespmem:s26], [sflag:$0x2], $0x5560, $0x38;
	[tilespmem:$0x16F00] =	vst v63  }
0x42: {  	s0 =	sshll.u32 s2, $0x1;
	_ =	swait.ge [sflag:s24], $0x5560  }
0x43: {  	s8 =	sor.u32 s7, s0;
	[sflag:s24] =	ssyncset.done $0x0  }
0x44: {  	s0 =	sadd.s32 s14, s8;
	s9 =	sand.u32 $0xF, s8;
	[sflag:s24] =	ssyncadd.s32 $0xFFFFAAA0  }
0x45: {  	s0 =	ssub.s32 s0, s9;
	[bflag:$0x0] =	sbarrier.arrive $0xFFFF  }
0x46: {  	v10 =	vld [tilespmem:s0+$0x1180];
	_ =	sdelay $0x2  }
0x47: {  	v11 =	vmov s9  }
0x48: {  	vm0 =	veq.s32 v11, v0;
	v11 =	vld [tilespmem:s0+$0x1580]  }
0x49: {  	v10 =	vnsel vm0, $0x0, v10  }
0x4a: {  	(xrf0) =	vadd.scan.msk.s32 $0xffff, v10;
	_ =	sdelay $0x2  }
0x4b: {  	v10 =	vnsel vm0, $0x0, v11;
	_ =	sdelay $0x2  }
0x4c: {  	(xrf0) =	vadd.scan.msk.s32 $0xffff, v10;
	v10, _, _ =	vpop (xrf0)  }
0x4d: {  	(v2sf) =	vpush v10, $0xF;
	_ =	sdelay $0x6  }
0x4e: {  	v10, _, _ =	vpop (xrf0)  }
0x4f: {  	(v2sf) =	vpush v10, $0xF;
	_ =	sdelay $0x6  }
0x50: {  	s20 =	spop (v2sf)  }
0x51: {  	s25 =	sadd.s32 $0x7F, s20  }
0x52: {  	s23 =	sshrl.u32 s25, $0x7  }
0x53: {  	p0 =	seq.s32 s23, $0x0  }
.Ltmp5:
0x54: {  	_ = 	snop;
	(pc) =	sbr.rel @p0 .LBB2_8-.Ltmp5, $2  }
0x55: {  	_ =	sdelay $0x2  }
0x56: {  	s0 =	spop (v2sf)  }
0x57: {  	p0 =	sne.s32 s23, $0x1  }
.Ltmp6:
0x58: {  	s25 =	sadd.s32 s0, s21;
	(pc) =	sbr.rel @!p0 .LBB2_7-.Ltmp6, $4  }
0x59: {  	s0 =	sshrl.u32 s25, $0x3  }
0x5a: {  	s15 =	sadd.s32 s5, s0  }
0x5b: {  	[tilespmem:s4], [sflag:$0x2] =	stream.linear.gather [hbm4b:s15+s4], $0x80, $0x38;
	[tilespmem:$0x16F00] =	vst v63  }
0x5c: {  	v10 =	vmov s20;
	s23 =	sadd.s32 $0xFFFFFFFF, s23;
	_ =	swait.ge [sflag:s24], $0x80  }
.LBB2_6:
0x5d: {  	[sflag:s24] =	ssyncset.done $0x0;
	s25 =	sadd.s32 $0x80, s25;
	s20 =	sadd.s32 $0xFFFFFF80, s20  }
0x5e: {  	p0 =	sne.s32 s23, $0x1;
	s0 =	sadd.s32 s6, s0;
	v11 =	vmov s20;
	[sflag:s24] =	ssyncadd.s32 $0xFFFFFF80  }
0x5f: {  	[tilespmem:s28], [sflag:$0x2] =	stream.linear.gather [hbm4b:s0+s4], $0x80, $0x38;
	[tilespmem:$0x16F00] =	vst v63  }
0x60: {  	s23 =	sadd.s32 $0xFFFFFFFF, s23;
	_ =	swait.ge [sflag:s24], $0x80  }
0x61: {  	[sflag:s24] =	ssyncset.done $0x0  }
0x62: {  	[sflag:s24] =	ssyncadd.s32 $0xFFFFFF80  }
0x63: {  	v12 =	vld [tilespmem:$0x80]  }
0x64: {  	v13 =	vld [tilespmem:$0x30]  }
0x65: {  	v14 =	vld [tilespmem:$0xF0]  }
0x66: {  	v15 =	vld [tilespmem:$0x90]  }
0x67: {  	v16 =	vld [tilespmem:$0x40]  }
0x68: {  	vm3 =	vgt.s32 v10, v0;
	vm1 =	vgt.s32 v10, v9;
	v17 =	vld [tilespmem:$0xA0]  }
0x69: {  	vm5 =	vgt.s32 v10, v5;
	v12 =	vnsel vm3, $0x0, v12;
	v18 =	vld [tilespmem:$0xB0];
	v13 =	vand.u32 $0x7FFF, v13  }
0x6a: {  	vm2 =	vgt.s32 v10, v3;
	[tilespmem:$0x80] =	vst v12;
	v12 =	vsel vm5, v13, v2;
	v13 =	vld [tilespmem:$0xC0];
	v14 =	vnsel vm1, $0x0, v14  }
0x6b: {  	v15 =	vnsel vm2, $0x0, v15;
	[tilespmem:$0x130] =	vst v12;
	v12 =	vld [tilespmem:$0xD0]  }
0x6c: {  	vm4 =	vgt.s32 v10, v4;
	vm6 =	vgt.s32 v10, v6;
	v19 =	vld [tilespmem:$0x0];
	v16 =	vand.u32 $0x7FFF, v16;
	[tilespmem:$0xF0] =	vst v14  }
0x6d: {  	[tilespmem:$0x90] =	vst v15;
	v14 =	vnsel vm4, $0x0, v17;
	v15 =	vsel vm6, v16, v2;
	v16 =	vld [tilespmem:$0xE0]  }
0x6e: {  	[tilespmem:$0xA0] =	vst v14;
	v14 =	vnsel vm5, $0x0, v18;
	v17 =	vld [tilespmem:$0x60]  }
0x6f: {  	vm5 =	vgt.s32 v10, v7;
	v18 =	vld [tilespmem:$0x10];
	[tilespmem:$0xB0] =	vst v14;
	v13 =	vnsel vm6, $0x0, v13  }
0x70: {  	[tilespmem:$0xC0] =	vst v13;
	v12 =	vnsel vm5, $0x0, v12;
	v13 =	vld [tilespmem:$0x70]  }
0x71: {  	vm6 =	vgt.s32 v10, v8;
	v10 =	vmov v11;
	v14 =	vand.u32 $0x7FFF, v19;
	v19 =	vld [tilespmem:$0x20];
	[tilespmem:$0xD0] =	vst v12  }
0x72: {  	v11 =	vsel vm3, v14, v2;
	[tilespmem:$0x140] =	vst v15;
	v12 =	vld [tilespmem:$0x50];
	v14 =	vnsel vm6, $0x0, v16  }
0x73: {  	v15 =	vand.u32 $0x7FFF, v17;
	[tilespmem:$0xE0] =	vst v14  }
0x74: {  	[tilespmem:$0x100] =	vst v11;
	v11 =	vand.u32 $0x7FFF, v18;
	v14 =	vsel vm6, v15, v2  }
0x75: {  	v11 =	vsel vm2, v11, v2;
	[tilespmem:$0x160] =	vst v14;
	v13 =	vand.u32 $0x7FFF, v13  }
0x76: {  	[tilespmem:$0x110] =	vst v11;
	v11 =	vand.u32 $0x7FFF, v19;
	v13 =	vsel vm1, v13, v2  }
0x77: {  	v11 =	vsel vm4, v11, v2;
	v12 =	vand.u32 $0x7FFF, v12;
	[tilespmem:$0x170] =	vst v13  }
0x78: {  	[tilespmem:$0x120] =	vst v11;
	v11 =	vsel vm5, v12, v2  }
0x79: {  	[tilespmem:$0x150] =	vst v11  }
0x7a: {  	[tilespmem:s29], [sflag:$0x1] =	stream.indirect.gather [hbm4b:s11+s28], $0x20, s28, s28, $0xb8;
	[tilespmem:$0x16F00] =	vst v63  }
0x7b: {  	_ =	swait.ge [sflag:s30], $0x1000  }
0x7c: {  	[sflag:s30] =	ssyncset.done $0x0  }
0x7d: {  	[sflag:s30] =	ssyncadd.s32 $0xFFFFF000  }
0x7e: {  	[spmem:s3] =	stream.indirect.scatter.add.f32 [tilespmem:s29], [sflag:$0x2], $0x20, s31, s28, $0xb8;
	[tilespmem:$0x16F00] =	vst v63  }
.Ltmp7:
0x7f: {  	_ =	swait.ge [sflag:s24], $0x1000;
	(pc) =	sbr.rel @p0 .LBB2_6-.Ltmp7, $4  }
0x80: {  	s0 =	sshrl.u32 s25, $0x3;
	[sflag:s24] =	ssyncset.done $0x0  }
0x81: {  	s15 =	sadd.s32 s5, s0;
	[sflag:s24] =	ssyncadd.s32 $0xFFFFF000  }
0x82: {  	[tilespmem:s4], [sflag:$0x2] =	stream.linear.gather [hbm4b:s15+s4], $0x80, $0x38;
	[tilespmem:$0x16F00] =	vst v63  }
0x83: {  	_ =	swait.ge [sflag:s24], $0x80  }
.LBB2_7:
0x84: {  	[sflag:s24] =	ssyncset.done $0x0  }
0x85: {  	s0 =	sadd.s32 s6, s0;
	[sflag:s24] =	ssyncadd.s32 $0xFFFFFF80  }
0x86: {  	[tilespmem:s28], [sflag:$0x2] =	stream.linear.gather [hbm4b:s0+s4], $0x80, $0x38;
	[tilespmem:$0x16F00] =	vst v63  }
0x87: {  	_ =	swait.ge [sflag:s24], $0x80  }
0x88: {  	[sflag:s24] =	ssyncset.done $0x0  }
0x89: {  	[sflag:s24] =	ssyncadd.s32 $0xFFFFFF80  }
0x8a: {  	v11 =	vld [tilespmem:$0x80]  }
0x8b: {  	v12 =	vld [tilespmem:$0x30]  }
0x8c: {  	v13 =	vld [tilespmem:$0xF0]  }
0x8d: {  	v14 =	vld [tilespmem:$0x90]  }
0x8e: {  	v15 =	vld [tilespmem:$0x40]  }
0x8f: {  	vm2 =	vgt.s32 v10, v0;
	v16 =	vld [tilespmem:$0xA0]  }
0x90: {  	vm1 =	vgt.s32 v10, v9;
	v17 =	vld [tilespmem:$0xB0];
	v11 =	vnsel vm2, $0x0, v11  }
0x91: {  	vm5 =	vgt.s32 v10, v5;
	v54 =	vld [tilespmem:$0xE0];
	v12 =	vand.u32 $0x7FFF, v12;
	v13 =	vnsel vm1, $0x0, v13;
	[tilespmem:$0x80] =	vst v11  }
0x92: {  	vm3 =	vgt.s32 v10, v3;
	v52 =	vld [tilespmem:$0xC0];
	v11 =	vsel vm5, v12, v2;
	[tilespmem:$0xF0] =	vst v13  }
0x93: {  	vm4 =	vgt.s32 v10, v4;
	v14 =	vnsel vm3, $0x0, v14;
	[tilespmem:$0x130] =	vst v11;
	v11 =	vld [tilespmem:$0xD0]  }
0x94: {  	v18 =	vld [tilespmem:$0x0];
	v53 =	vnsel vm4, $0x0, v16;
	[tilespmem:$0x90] =	vst v14  }
0x95: {  	vm15 =	vgt.s32 v10, v8;
	v56 =	vld [tilespmem:$0x60];
	v55 =	vnsel vm5, $0x0, v17;
	[tilespmem:$0xA0] =	vst v53  }
0x96: {  	vm6 =	vgt.s32 v10, v6;
	v57 =	vld [tilespmem:$0x10];
	v61 =	vnsel vm15, $0x0, v54;
	[tilespmem:$0xB0] =	vst v55  }
0x97: {  	vm14 =	vgt.s32 v10, v7;
	v59 =	vld [tilespmem:$0x70];
	v12 =	vnsel vm6, $0x0, v52;
	[tilespmem:$0xE0] =	vst v61  }
0x98: {  	v60 =	vld [tilespmem:$0x20];
	v58 =	vand.u32 $0x7FFF, v15;
	[tilespmem:$0xC0] =	vst v12;
	v11 =	vnsel vm14, $0x0, v11  }
0x99: {  	v10 =	vand.u32 $0x7FFF, v18;
	v13 =	vsel vm6, v58, v2;
	[tilespmem:$0xD0] =	vst v11;
	v11 =	vld [tilespmem:$0x50]  }
0x9a: {  	v62 =	vand.u32 $0x7FFF, v56;
	v10 =	vsel vm2, v10, v2;
	[tilespmem:$0x140] =	vst v13  }
0x9b: {  	v63 =	vsel vm15, v62, v2;
	[tilespmem:$0x100] =	vst v10;
	v10 =	vand.u32 $0x7FFF, v57  }
0x9c: {  	[tilespmem:$0x160] =	vst v63;
	v12 =	vand.u32 $0x7FFF, v59;
	v10 =	vsel vm3, v10, v2  }
0x9d: {  	v12 =	vsel vm1, v12, v2;
	[tilespmem:$0x110] =	vst v10;
	v10 =	vand.u32 $0x7FFF, v60  }
0x9e: {  	[tilespmem:$0x170] =	vst v12;
	v10 =	vsel vm4, v10, v2;
	v11 =	vand.u32 $0x7FFF, v11  }
0x9f: {  	[tilespmem:$0x120] =	vst v10;
	v10 =	vsel vm14, v11, v2  }
0xa0: {  	[tilespmem:$0x150] =	vst v10  }
0xa1: {  	[tilespmem:s29], [sflag:$0x1] =	stream.indirect.gather [hbm4b:s11+s28], $0x20, s28, s28, $0xb8;
	[tilespmem:$0x16F00] =	vst v63  }
0xa2: {  	_ =	swait.ge [sflag:s30], $0x1000  }
0xa3: {  	[sflag:s30] =	ssyncset.done $0x0  }
0xa4: {  	[sflag:s30] =	ssyncadd.s32 $0xFFFFF000  }
0xa5: {  	[spmem:s3] =	stream.indirect.scatter.add.f32 [tilespmem:s29], [sflag:$0x2], $0x20, s31, s28, $0xb8;
	[tilespmem:$0x16F00] =	vst v63  }
0xa6: {  	_ =	swait.ge [sflag:s24], $0x1000  }
0xa7: {  	[sflag:s24] =	ssyncset.done $0x0  }
0xa8: {  	[sflag:s24] =	ssyncadd.s32 $0xFFFFF000  }
.LBB2_8:
0xa9: {  	s0 =	sadd.s32 s17, s8  }
0xaa: {  	s0 =	ssub.s32 s0, s9  }
0xab: {  	v10 =	vld [tilespmem:s0+$0x1180];
	_ =	sdelay $0x3  }
0xac: {  	v11 =	vld [tilespmem:s0+$0x1580]  }
0xad: {  	v10 =	vnsel vm0, $0x0, v10  }
0xae: {  	(xrf0) =	vadd.scan.msk.s32 $0xffff, v10;
	_ =	sdelay $0x2  }
0xaf: {  	v10 =	vnsel vm0, $0x0, v11;
	_ =	sdelay $0x2  }
0xb0: {  	(xrf0) =	vadd.scan.msk.s32 $0xffff, v10;
	v10, _, _ =	vpop (xrf0)  }
0xb1: {  	(v2sf) =	vpush v10, $0xF;
	_ =	sdelay $0x6  }
0xb2: {  	v10, _, _ =	vpop (xrf0)  }
0xb3: {  	(v2sf) =	vpush v10, $0xF;
	_ =	sdelay $0x6  }
0xb4: {  	s9 =	spop (v2sf)  }
0xb5: {  	s25 =	sadd.s32 $0x7F, s9  }
0xb6: {  	s23 =	sshrl.u32 s25, $0x7  }
0xb7: {  	p0 =	seq.s32 s23, $0x0  }
.Ltmp8:
0xb8: {  	_ = 	snop;
	(pc) =	sbr.rel @p0 .LBB2_12-.Ltmp8, $2  }
0xb9: {  	_ =	sdelay $0x2  }
0xba: {  	s0 =	spop (v2sf)  }
0xbb: {  	s15 =	rddreg [dreg:$0x8];
	p0 =	sne.s32 s23, $0x1  }
.Ltmp9:
0xbc: {  	s20 =	sadd.s32 s0, s15;
	(pc) =	sbr.rel @!p0 .LBB2_11-.Ltmp9, $4  }
0xbd: {  	s0 =	sshrl.u32 s20, $0x3  }
0xbe: {  	s25 =	sadd.s32 s5, s0  }
0xbf: {  	[tilespmem:s4], [sflag:$0x2] =	stream.linear.gather [hbm4b:s25+s4], $0x80, $0x38;
	[tilespmem:$0x16F00] =	vst v63  }
0xc0: {  	v10 =	vmov s9;
	s23 =	sadd.s32 $0xFFFFFFFF, s23;
	_ =	swait.ge [sflag:s24], $0x80  }
.LBB2_10:
0xc1: {  	[sflag:s24] =	ssyncset.done $0x0;
	s20 =	sadd.s32 $0x80, s20;
	s9 =	sadd.s32 $0xFFFFFF80, s9  }
0xc2: {  	p0 =	sne.s32 s23, $0x1;
	s0 =	sadd.s32 s6, s0;
	v11 =	vmov s9;
	[sflag:s24] =	ssyncadd.s32 $0xFFFFFF80  }
0xc3: {  	[tilespmem:s28], [sflag:$0x2] =	stream.linear.gather [hbm4b:s0+s4], $0x80, $0x38;
	[tilespmem:$0x16F00] =	vst v63  }
0xc4: {  	s23 =	sadd.s32 $0xFFFFFFFF, s23;
	_ =	swait.ge [sflag:s24], $0x80  }
0xc5: {  	[sflag:s24] =	ssyncset.done $0x0  }
0xc6: {  	[sflag:s24] =	ssyncadd.s32 $0xFFFFFF80  }
0xc7: {  	v12 =	vld [tilespmem:$0x80]  }
0xc8: {  	v13 =	vld [tilespmem:$0x30]  }
0xc9: {  	v14 =	vld [tilespmem:$0xF0]  }
0xca: {  	v15 =	vld [tilespmem:$0x90]  }
0xcb: {  	v16 =	vld [tilespmem:$0x40]  }
0xcc: {  	vm2 =	vgt.s32 v10, v0;
	vm0 =	vgt.s32 v10, v9;
	v17 =	vld [tilespmem:$0xA0]  }
0xcd: {  	vm4 =	vgt.s32 v10, v5;
	v12 =	vnsel vm2, $0x0, v12;
	v18 =	vld [tilespmem:$0xB0];
	v13 =	vand.u32 $0x7FFF, v13  }
0xce: {  	vm1 =	vgt.s32 v10, v3;
	[tilespmem:$0x80] =	vst v12;
	v12 =	vsel vm4, v13, v2;
	v13 =	vld [tilespmem:$0xC0];
	v14 =	vnsel vm0, $0x0, v14  }
0xcf: {  	v15 =	vnsel vm1, $0x0, v15;
	[tilespmem:$0x130] =	vst v12;
	v12 =	vld [tilespmem:$0xD0]  }
0xd0: {  	vm3 =	vgt.s32 v10, v4;
	vm5 =	vgt.s32 v10, v6;
	v19 =	vld [tilespmem:$0x0];
	v16 =	vand.u32 $0x7FFF, v16;
	[tilespmem:$0xF0] =	vst v14  }
0xd1: {  	[tilespmem:$0x90] =	vst v15;
	v14 =	vnsel vm3, $0x0, v17;
	v15 =	vsel vm5, v16, v2;
	v16 =	vld [tilespmem:$0xE0]  }
0xd2: {  	[tilespmem:$0xA0] =	vst v14;
	v14 =	vnsel vm4, $0x0, v18;
	v17 =	vld [tilespmem:$0x60]  }
0xd3: {  	vm4 =	vgt.s32 v10, v7;
	v18 =	vld [tilespmem:$0x10];
	[tilespmem:$0xB0] =	vst v14;
	v13 =	vnsel vm5, $0x0, v13  }
0xd4: {  	[tilespmem:$0xC0] =	vst v13;
	v12 =	vnsel vm4, $0x0, v12;
	v13 =	vld [tilespmem:$0x70]  }
0xd5: {  	vm5 =	vgt.s32 v10, v8;
	v10 =	vmov v11;
	v14 =	vand.u32 $0x7FFF, v19;
	v19 =	vld [tilespmem:$0x20];
	[tilespmem:$0xD0] =	vst v12  }
0xd6: {  	v11 =	vsel vm2, v14, v2;
	[tilespmem:$0x140] =	vst v15;
	v12 =	vld [tilespmem:$0x50];
	v14 =	vnsel vm5, $0x0, v16  }
0xd7: {  	v15 =	vand.u32 $0x7FFF, v17;
	[tilespmem:$0xE0] =	vst v14  }
0xd8: {  	[tilespmem:$0x100] =	vst v11;
	v11 =	vand.u32 $0x7FFF, v18;
	v14 =	vsel vm5, v15, v2  }
0xd9: {  	v11 =	vsel vm1, v11, v2;
	[tilespmem:$0x160] =	vst v14;
	v13 =	vand.u32 $0x7FFF, v13  }
0xda: {  	[tilespmem:$0x110] =	vst v11;
	v11 =	vand.u32 $0x7FFF, v19;
	v13 =	vsel vm0, v13, v2  }
0xdb: {  	v11 =	vsel vm3, v11, v2;
	v12 =	vand.u32 $0x7FFF, v12;
	[tilespmem:$0x170] =	vst v13  }
0xdc: {  	[tilespmem:$0x120] =	vst v11;
	v11 =	vsel vm4, v12, v2  }
0xdd: {  	[tilespmem:$0x150] =	vst v11  }
0xde: {  	[tilespmem:s29], [sflag:$0x1] =	stream.indirect.gather [hbm4b:s11+s28], $0x20, s28, s28, $0xb8;
	[tilespmem:$0x16F00] =	vst v63  }
0xdf: {  	_ =	swait.ge [sflag:s30], $0x1000  }
0xe0: {  	[sflag:s30] =	ssyncset.done $0x0  }
0xe1: {  	[sflag:s30] =	ssyncadd.s32 $0xFFFFF000  }
0xe2: {  	[spmem:s3] =	stream.indirect.scatter.add.f32 [tilespmem:s29], [sflag:$0x2], $0x20, s31, s28, $0xb8;
	[tilespmem:$0x16F00] =	vst v63  }
.Ltmp10:
0xe3: {  	_ =	swait.ge [sflag:s24], $0x1000;
	(pc) =	sbr.rel @p0 .LBB2_10-.Ltmp10, $4  }
0xe4: {  	s0 =	sshrl.u32 s20, $0x3;
	[sflag:s24] =	ssyncset.done $0x0  }
0xe5: {  	s15 =	sadd.s32 s5, s0;
	[sflag:s24] =	ssyncadd.s32 $0xFFFFF000  }
0xe6: {  	[tilespmem:s4], [sflag:$0x2] =	stream.linear.gather [hbm4b:s15+s4], $0x80, $0x38;
	[tilespmem:$0x16F00] =	vst v63  }
0xe7: {  	_ =	swait.ge [sflag:s24], $0x80  }
.LBB2_11:
0xe8: {  	[sflag:s24] =	ssyncset.done $0x0  }
0xe9: {  	s0 =	sadd.s32 s6, s0;
	[sflag:s24] =	ssyncadd.s32 $0xFFFFFF80  }
0xea: {  	[tilespmem:s28], [sflag:$0x2] =	stream.linear.gather [hbm4b:s0+s4], $0x80, $0x38;
	[tilespmem:$0x16F00] =	vst v63  }
0xeb: {  	_ =	swait.ge [sflag:s24], $0x80  }
0xec: {  	[sflag:s24] =	ssyncset.done $0x0  }
0xed: {  	[sflag:s24] =	ssyncadd.s32 $0xFFFFFF80  }
0xee: {  	v11 =	vld [tilespmem:$0x80]  }
0xef: {  	v12 =	vld [tilespmem:$0x30]  }
0xf0: {  	v13 =	vld [tilespmem:$0xF0]  }
0xf1: {  	v14 =	vld [tilespmem:$0x90]  }
0xf2: {  	v15 =	vld [tilespmem:$0x40]  }
0xf3: {  	vm1 =	vgt.s32 v10, v0;
	v16 =	vld [tilespmem:$0xA0]  }
0xf4: {  	vm0 =	vgt.s32 v10, v9;
	v17 =	vld [tilespmem:$0xB0];
	v11 =	vnsel vm1, $0x0, v11  }
0xf5: {  	vm4 =	vgt.s32 v10, v5;
	v54 =	vld [tilespmem:$0xE0];
	v12 =	vand.u32 $0x7FFF, v12;
	v13 =	vnsel vm0, $0x0, v13;
	[tilespmem:$0x80] =	vst v11  }
0xf6: {  	vm2 =	vgt.s32 v10, v3;
	v52 =	vld [tilespmem:$0xC0];
	v11 =	vsel vm4, v12, v2;
	[tilespmem:$0xF0] =	vst v13  }
0xf7: {  	vm3 =	vgt.s32 v10, v4;
	v14 =	vnsel vm2, $0x0, v14;
	[tilespmem:$0x130] =	vst v11;
	v11 =	vld [tilespmem:$0xD0]  }
0xf8: {  	v18 =	vld [tilespmem:$0x0];
	v53 =	vnsel vm3, $0x0, v16;
	[tilespmem:$0x90] =	vst v14  }
0xf9: {  	vm15 =	vgt.s32 v10, v8;
	v56 =	vld [tilespmem:$0x60];
	v55 =	vnsel vm4, $0x0, v17;
	[tilespmem:$0xA0] =	vst v53  }
0xfa: {  	vm5 =	vgt.s32 v10, v6;
	v57 =	vld [tilespmem:$0x10];
	v61 =	vnsel vm15, $0x0, v54;
	[tilespmem:$0xB0] =	vst v55  }
0xfb: {  	vm14 =	vgt.s32 v10, v7;
	v59 =	vld [tilespmem:$0x70];
	v12 =	vnsel vm5, $0x0, v52;
	[tilespmem:$0xE0] =	vst v61  }
0xfc: {  	v60 =	vld [tilespmem:$0x20];
	v58 =	vand.u32 $0x7FFF, v15;
	[tilespmem:$0xC0] =	vst v12;
	v11 =	vnsel vm14, $0x0, v11  }
0xfd: {  	v10 =	vand.u32 $0x7FFF, v18;
	v13 =	vsel vm5, v58, v2;
	[tilespmem:$0xD0] =	vst v11;
	v11 =	vld [tilespmem:$0x50]  }
0xfe: {  	v62 =	vand.u32 $0x7FFF, v56;
	v10 =	vsel vm1, v10, v2;
	[tilespmem:$0x140] =	vst v13  }
0xff: {  	v63 =	vsel vm15, v62, v2;
	[tilespmem:$0x100] =	vst v10;
	v10 =	vand.u32 $0x7FFF, v57  }
0x100: {  	[tilespmem:$0x160] =	vst v63;
	v12 =	vand.u32 $0x7FFF, v59;
	v10 =	vsel vm2, v10, v2  }
0x101: {  	v12 =	vsel vm0, v12, v2;
	[tilespmem:$0x110] =	vst v10;
	v10 =	vand.u32 $0x7FFF, v60  }
0x102: {  	[tilespmem:$0x170] =	vst v12;
	v10 =	vsel vm3, v10, v2;
	v11 =	vand.u32 $0x7FFF, v11  }
0x103: {  	[tilespmem:$0x120] =	vst v10;
	v10 =	vsel vm14, v11, v2  }
0x104: {  	[tilespmem:$0x150] =	vst v10  }
0x105: {  	[tilespmem:s29], [sflag:$0x1] =	stream.indirect.gather [hbm4b:s11+s28], $0x20, s28, s28, $0xb8;
	[tilespmem:$0x16F00] =	vst v63  }
0x106: {  	_ =	swait.ge [sflag:s30], $0x1000  }
0x107: {  	[sflag:s30] =	ssyncset.done $0x0  }
0x108: {  	[sflag:s30] =	ssyncadd.s32 $0xFFFFF000  }
0x109: {  	[spmem:s3] =	stream.indirect.scatter.add.f32 [tilespmem:s29], [sflag:$0x2], $0x20, s31, s28, $0xb8;
	[tilespmem:$0x16F00] =	vst v63  }
0x10a: {  	_ =	swait.ge [sflag:s24], $0x1000  }
0x10b: {  	[sflag:s24] =	ssyncset.done $0x0  }
0x10c: {  	[sflag:s24] =	ssyncadd.s32 $0xFFFFF000  }
.LBB2_12:
0x10d: {  	s0 =	sshll.u32 s8, $0xF  }
0x10e: {  	s0 =	sor.u32 s16, s0  }
0x10f: {  	p0 =	sgt.u32 s0, $0xF3A40  }
.Ltmp11:
0x110: {  	_ = 	snop;
	(pc) =	sbr.rel @!p0 .LBB2_13-.Ltmp11, $2  }
0x111: {  	_ =	sdelay $0x1  }
0x112: {  	[bflag:$0x0] =	sbarrier.arrive $0xFFFF;
	_ =	sdelay $0x1  }
0x113: {  	p0 =	sgt.u32 s0, $0xF423F  }
.Ltmp12:
0x114: {  	_ = 	snop;
	(pc) =	sbr.rel @p0 .LBB2_18-.Ltmp12, $1  }
0x115: {  	_ =	sdelay $0x3  }
0x116: {  	s0 =	sshrl.u32 s19, $0x6  }
0x117: {  	s8 =	smax.u32 s0, $0x1  }
0x118: {  	p0 =	sne.s32 s8, $0x1  }
.Ltmp13:
0x119: {  	_ = 	snop;
	(pc) =	sbr.rel @!p0 .LBB2_17-.Ltmp13, $4  }
0x11a: {  	s9 =	sand.u32 $0x1FFFFF00, s22;
	s15 =	sshrl.u32 s18, $0x3  }
0x11b: {  	s20 =	sadd.s32 $0x100, s22;
	s0 =	sor.u32 $0x1C02, s14;
	s9 =	sadd.s32 s1, s9  }
0x11c: {  	[hbm:s9], [sflag:s0] =	dma.local [spmem:s15], $0x100  }
0x11d: {  	s8 =	sadd.s32 $0xFFFFFFFF, s8;
	s9 =	sadd.s32 $0x800, s18;
	_ =	swait.ge [sflag:s24], $0x100  }
.LBB2_16:
0x11e: {  	s15 =	sand.u32 $0x1FFFFF00, s20  }
0x11f: {  	[sflag:s24] =	ssyncset.done $0x0;
	s23 =	sshrl.u32 s9, $0x3;
	p0 =	sne.s32 s8, $0x1  }
.Ltmp14:
0x120: {  	s15 =	sadd.s32 s1, s15;
	[sflag:s24] =	ssyncadd.s32 $0xFFFFFF00;
	(pc) =	sbr.rel @p0 .LBB2_16-.Ltmp14, $3  }
0x121: {  	[hbm:s15], [sflag:s0] =	dma.local [spmem:s23], $0x100  }
0x122: {  	s8 =	sadd.s32 $0xFFFFFFFF, s8;
	_ =	sdelay $0x1  }
0x123: {  	s9 =	sadd.s32 $0x800, s9;
	s20 =	sadd.s32 $0x100, s20;
	_ =	swait.ge [sflag:s24], $0x100  }
.LBB2_17:
.Ltmp15:
0x124: {  	(pc) =	sbr.rel .LBB2_18-.Ltmp15, $3  }
0x125: {  	_ =	sdelay $0x1  }
0x126: {  	[sflag:s24] =	ssyncset.done $0x0  }
0x127: {  	[sflag:s24] =	ssyncadd.s32 $0xFFFFFF00  }
.LBB2_20:
0x128: {  	_ =	sfence.sel $0x180000  }
0x129: {  	[bflag:$0x0] =	sbarrier.arrive $0xFFFF  }
0x12a: {  	_ =	strace $0x9000004A  }
0x12b: {  	s0 =	stileid.u32;
	[bflag:$0x2] =	sbarrier.arrive $0xFFFF  }
0x12c: {  	p0 =	sne.s32 s0, $0x0;
	s0 =	rddreg [dreg:$0x3]  }
0x12d: {  	s0 =	sadd.s32 @!p0 $0x100000, s0  }
0x12e: {  	[sflag:s0] =	ssyncadd.tile.s32 @!p0 $0x1;
	_ =	shalt  }
.Lfunc_end2:
_tile_overlayer_lowered:
.L_overlay_start_2:
0x12f: {  	(tag) =	ssettag $0x2  }
0x130: {  	s0 =	rddreg [dreg:$0x0];
	s2 =	stileid.u32  }
0x131: {  	s1 =	rddreg [dreg:$0x1];
	p0 =	sne.s32 s2, $0x0  }
0x132: {  	s3 =	rddreg [dreg:$0x2];
	[bflag:$0x3] =	sbarrier.arrive $0xFFFF;
	s2 =	simm.s32 @!p0 $0x1C02  }
0x133: {  	[timem:s3], [sflag:s2] =	dma.local @!p0 [hbm:s0], s1  }
0x134: {  	s0 =	simm.s32 @!p0 $0x2  }
0x135: {  	_ =	swait.ge @!p0 [sflag:s0], s1  }
0x136: {  	s1 =	ssub.s32 @!p0 $0x0, s1;
	[sflag:s0] =	ssyncset.done @!p0 $0x0  }
0x137: {  	[sflag:s0] =	ssyncadd.s32 @!p0 s1  }
0x138: {  	[bflag:$0x3] =	sbarrier.arrive $0xFFFF  }
0x139: {  	_ =	shalt  }

// kernel: sparse-core-data-format-call.cloned.1.call-start
scs
called_computation_lowered:
.L_overlay_start_0:
0x0: {  	s2 =	sld [smem:$0x3FD9]  }
0x1: {  	s3 =	sld [smem:$0x3FFE];
	_ =	sdelay $0x1  }
0x2: {  	s1 =	srdreg.scid  }
0x3: {  	s0 =	sand.u32 $0x1, s1  }
0x4: {  	s18 =	sshll.u32 s0, $0xA;
	s2 =	sadd.s32 s3, s2  }
0x5: {  	s2 =	sadd.s32 s2, s18  }
0x6: {  	[smem:$0x3FC6] =	sst s2  }
0x7: {  	_ = 	snop  }
0x8: {  	s2 =	sld [smem:$0x3FD0];
	(tm) =	ssettm $0x1  }
0x9: {  	s19 =	sld [smem:$0x3FFB];
	_ =	sdelay $0x3  }
0xa: {  	_ =	strace s19  }
0xb: {  	s3 =	sld [smem:$0x3FFC];
	_ =	sdelay $0x3  }
0xc: {  	_ =	strace s3  }
0xd: {  	s3 =	sld [smem:$0x3FFD];
	_ =	sdelay $0x3  }
0xe: {  	_ =	strace s3  }
0xf: {  	_ =	strace $0x8FFFFFFF  }
0x10: {  	s20 =	sld [smem:$0x3FDB];
	_ =	sdelay $0x1  }
0x11: {  	s4 =	simm.s32 $_scs_section_size  }
0x12: {  	s5 =	simm.s32 $_size__tile_overlayer_lowered;
	s6 =	simm.s32 $_tile_overlayer_lowered  }
0x13: {  	s23 =	simm.s32 $0x1BFF;
	s22 =	sshll.u32 s6, $0x1;
	s3 =	sadd.s32 s4, s20  }
0x14: {  	s7 =	simm.s32 $0x0;
	s21 =	sshll.u32 s5, $0x1;
	s5 =	sadd.s32 s22, s3  }
0x15: {  	[timem:s7], [sflag:s23] =	dma.local [hbm:s5], s21  }
0x16: {  	_ =	swait.ge [sflag:s23], s21  }
0x17: {  	s4 =	ssub.s32 $0x0, s21;
	[sflag:s23] =	ssyncset.done $0x0  }
0x18: {  	[sflag:s23] =	ssyncadd.s32 s4;
	_ =	sdelay $0x1  }
0x19: {  	s24 =	simm.s32 $0x1B8B  }
0x1a: {  	_ =	swait.ge [sflag:s24], $0x1  }
0x1b: {  	[sflag:s24] =	ssyncset.done $0x0  }
0x1c: {  	s26 =	simm.s32 $0x1B8E;
	s25 =	sld [smem:$0x3FFE];
	[sflag:s24] =	ssyncadd.s32 $0xFFFFFFFF  }
0x1d: {  	s27 =	simm.s32 $execute0_lowered;
	[smem:$0x3FD2] =	sst s26  }
0x1e: {  	s5 =	sshll.u32 s27, $0x1;
	_ =	strace $0x8000004C;
	[dreg:$0x1] =	wrdreg $0xFFFFFFFF  }
0x1f: {  	s28 =	simm.s32 $_size_execute0_lowered;
	s3 =	sadd.s32 s3, s5;
	[dreg:$0x0] =	wrdreg $0x0  }
0x20: {  	s5 =	sshll.u32 s28, $0x1;
	[dreg:$0x2] =	wrdreg s3  }
0x21: {  	[dreg:$0x3] =	wrdreg s5  }
0x22: {  	[dreg:$0x4] =	wrdreg $0xC0  }
0x23: {  	_ =	task [dreg:s7], $0x5FFFF  }
0x24: {  	[dreg:$0x1] =	wrdreg $0xFFFFFFFF  }
0x25: {  	[dreg:$0x0] =	wrdreg $0x60  }
0x26: {  	[dreg:$0x2] =	wrdreg s25  }
0x27: {  	[dreg:$0x3] =	wrdreg s2  }
0x28: {  	[dreg:$0x4] =	wrdreg $0x9  }
0x29: {  	_ =	task.clear_ibuf [dreg:s7], $0x5FFFF;
	_ =	strace $0x9000004C  }
0x2a: {  	s29 =	simm.s32 $0x9;
	_ =	strace $0x8000004E  }
0x2b: {  	_ =	swait.ge [sflag:s29], $0x1  }
0x2c: {  	[sflag:s29] =	ssyncadd.s32 $0xFFFFFFFF  }
0x2d: {  	_ =	strace $0x9000004E  }
0x2e: {  	_ =	sfence  }
0x2f: {  	s30 =	sld [smem:$0x0];
	_ =	sdelay $0x2  }
0x30: {  	s31 =	sshll.u32 s1, $0xD;
	s1 =	sshrl.u32 s1, $0x2  }
0x31: {  	s3 =	sand.u32 $0x4000, s31;
	s1 =	sadd.s32 s1, s30  }
0x32: {  	s0 =	sor.u32 s3, s0;
	s1 =	sshll.u32 s1, $0x11  }
0x33: {  	s0 =	sor.u32 s1, s0  }
0x34: {  	s0 =	sadd.s32 $0x8F2B, s0  }
0x35: {  	[sflag:s0] =	ssyncadd.remote.s32 $0x1  }
0x36: {  	_ =	sfence.sel $0xFFFF  }
0x37: {  	[dreg:$0x0] =	wrdreg $0xFFFFFFFF;
	(pc) =	sbr.abs _section_cstart, $3  }
0x38: {  	[dreg:$0x1] =	wrdreg $0xFFFFFFFF  }
0x39: {  	_ =	task.clear_ibuf [dreg:s7], $0x2FFFF;
	_ =	strace $0x9FFFFFFF  }
0x3a: {  	(tm) =	ssettm $0x7FFFFFFF  }
0x3b: {  	_ =	shalt  }
tec
execute0_lowered:
.L_overlay_start_1:
0x0: {  	(tag) =	ssettag $0x1  }
0x1: {  	s4 =	rddreg [dreg:$0x0]  }
0x2: {  	s0 =	srdreg.scid;
	s2 =	rddreg [dreg:$0x1]  }
0x3: {  	s1 =	stileid.u32;
	s5 =	simm.s32 $0x1;
	s0 =	sshll.u32 s0, $0x4  }
0x4: {  	s7 =	simm.s32 $0x2;
	s11 =	simm.s32 $0x0;
	s3 =	sand.u32 $0x10, s0  }
.Ltmp0:
0x5: {  	p0 =	por $0x0, $0x0;
	s3 =	sor.u32 s1, s3;
	(pc) =	sbr.rel .LBB1_1-.Ltmp0, $4  }
0x6: {  	s8 =	simm.s32 $0x7A1400;
	s10 =	simm.s32 $0x0;
	s3 =	sshll.u32 s3, $0x7  }
0x7: {  	s0 =	rddreg [dreg:$0x2];
	_ =	strace $0x8000004D;
	s6 =	ssub.s32 $0xF4200, s3  }
0x8: {  	s4 =	sadd.s32 $0x1000, s4;
	[sflag:s5] =	ssyncpa.u1 $0x0;
	s6 =	sshrl.u32 s6, $0xC  }
0x9: {  	[sflag:s7] =	ssyncpa.u1 $0x0;
	s9 =	smov.u32 s3;
	s7 =	sadd.s32 $0x2, s6  }
.LBB1_5:
0xa: {  	s13 =	sadd.s32 $0x1000, s9  }
0xb: {  	p2 =	sgt.s32 s13, $0xF423F  }
0xc: {  	s13 =	smov.u32 @p2 s3;
	p2 =	sne.s32 s10, s7  }
.Ltmp1:
0xd: {  	p1 =	slt.u32 s10, $0x2;
	(pc) =	sbr.rel @!p2 .LBB1_6-.Ltmp1, $4  }
0xe: {  	s12 =	simm.s32 @!p1 $0x2  }
0xf: {  	s14 =	sadd.s32 $0x1, s10;
	_ =	swait.ge @!p1 [sflag:s12], $0x1000  }
0x10: {  	s11 =	smov.u32 s9;
	p0 =	por !p0, !p0;
	[sflag:s12] =	ssyncset.done @!p1 $0x0  }
0x11: {  	s10 =	smov.u32 s14;
	s9 =	smov.u32 s13;
	[sflag:s12] =	ssyncadd.s32 @!p1 $0xFFFFF000  }
.LBB1_1:
0x12: {  	p1 =	sgt.u32 s10, s6  }
0x13: {  	s13 =	smov.u32 s9;
	p2 =	sgt.s32 @!p1 s9, $0xF41C0  }
0x14: {  	s12 =	sand.u32 @!p1 $0x1FFFFFF, s9;
	s14 =	sshra.s32 @!p1 s9, $0x1F;
	p2 =	por !p2, p1  }
0x15: {  	s15 =	smulhi.u32 @!p1 $0x218DEF5, s12;
	s14 =	sand.u32 @!p1 s14, s9;
	s13 =	simm.s32 @p2 $0xF41C0  }
0x16: {  	s13 =	ssub.s32 @!p1 s13, s14  }
0x17: {  	s14 =	sshrl.u32 @!p1 s15, $0xD;
	s13 =	sadd.s32 @!p1 $0xFFF0BE40, s13  }
0x18: {  	s15 =	sxor.u32 @!p1 $0xFFFFFFFF, s10;
	s14 =	smul.u32 @!p1 $0xF4240, s14;
	s16 =	sshll.u32 @!p1 s13, $0x7  }
0x19: {  	s15 =	sshll.u32 @!p1 s15, $0xC;
	p2 =	sgt.s32 @!p1 s13, $0x7F;
	s13 =	ssub.s32 @!p1 $0x4000, s16  }
0x1a: {  	s12 =	ssub.s32 @!p1 s12, s14;
	p2 =	por !p2, p1;
	s14 =	sand.u32 @!p1 $0x1000, s15  }
0x1b: {  	s15 =	simm.s32 @!p1 $0x20;
	s13 =	sshrl.u32 @!p1 s13, $0x2;
	s12 =	sshll.u32 @!p1 s12, $0x4  }
0x1c: {  	s16 =	simm.s32 @!p1 $0x80;
	s13 =	simm.s32 @!p2 $0x0;
	s12 =	sadd.s32 @!p1 s4, s12  }
0x1d: {  	[tilespmem:s14], [sflag:$0x1] =	stream.strided.gather @!p1 [hbm4b:s12+s15], s13, s16, s15, $0x38;
	[tilespmem:$0x4040] =	vst v63  }
0x1e: {  	p1 =	seq.s32 s10, $0x0  }
0x1f: {  	p2 =	sge.u32 @!p1 s10, s7  }
0x20: {  	p1 =	por p1, p2  }
.Ltmp2:
0x21: {  	_ = 	snop;
	(pc) =	sbr.rel @p1 .LBB1_5-.Ltmp2, $1  }
0x22: {  	_ =	sdelay $0x3  }
0x23: {  	p1 =	sgt.s32 s11, $0xF41C0;
	s12 =	smov.u32 s11;
	s13 =	sshra.s32 s11, $0x1F  }
0x24: {  	s12 =	simm.s32 @!p1 $0xF41C0;
	s13 =	sand.u32 s13, s11  }
0x25: {  	s12 =	ssub.s32 s12, s13  }
0x26: {  	s12 =	sadd.s32 $0xFFF0BE40, s12  }
0x27: {  	s28 =	sshll.u32 s12, $0x7  }
0x28: {  	s13 =	ssub.s32 $0x4000, s28  }
0x29: {  	p1 =	sgt.s32 s12, $0x7F;
	s12 =	sshrl.u32 s13, $0x2  }
0x2a: {  	s13 =	simm.s32 $0x1;
	s12 =	simm.s32 @p1 $0x0  }
0x2b: {  	s13 =	simm.s32 @!p0 $0x0;
	_ =	swait.ge [sflag:s5], s12  }
0x2c: {  	s14 =	sshll.u32 s13, $0xC;
	s12 =	ssub.s32 $0x0, s12;
	[sflag:s5] =	ssyncset.done $0x0  }
0x2d: {  	s16 =	sor.u32 $0x10, s14;
	[sflag:s5] =	ssyncadd.s32 s12  }
0x2e: {  	s29 =	smul.u32 $0x4080, s13;
	v1 =	vld [tilespmem:s16+$0x0]  }
0x2f: {  	s30 =	sand.u32 $0x1, s10;
	v0 =	vld [tilespmem:s16+$0xFFFFFFF0]  }
0x30: {  	s13 =	smul.u32 $0x4080, s30;
	s12 =	sshrl.u32 s29, $0x2  }
0x31: {  	s14 =	sor.u32 $0x2000, s12  }
0x32: {  	s31 =	sshrl.u32 s13, $0x2;
	s13 =	sadd.s32 $0x0, s14  }
0x33: {  	s15 =	simm.s32 $0x4;
	s12 =	sor.u32 $0x2000, s31;
	s16 =	sadd.s32 $0x20, s16;
	[tilespmem:s13+$0x810 ss:$0x81] =	vst.msk $0xffff, v1  }
.LBB1_3:
0x34: {  	v1 =	vld [tilespmem:s16+$0x0];
	p1 =	sne.s32 s15, $0x1FC;
	[tilespmem:s13+$0x0 ss:$0x81] =	vst.msk $0xffff, v0;
	s13 =	smov.u32 s15;
	s15 =	sadd.s32 $0x4, s15  }
.Ltmp3:
0x35: {  	v0 =	vld [tilespmem:s16+$0xFFFFFFF0];
	(pc) =	sbr.rel @p1 .LBB1_3-.Ltmp3, $4  }
0x36: {  	_ = 	snop  }
0x37: {  	s13 =	sshra.s32 s13, $0x2  }
0x38: {  	s13 =	sadd.s32 s13, s14  }
0x39: {  	s16 =	sadd.s32 $0x20, s16;
	[tilespmem:s13+$0x810 ss:$0x81] =	vst.msk $0xffff, v1  }
0x3a: {  	s14 =	sshll.u32 s11, $0x3  }
0x3b: {  	s30 =	sand.u32 $0x7F, s11;
	s14 =	sand.u32 $0xFFFFFC00, s14  }
0x3c: {  	s11 =	sor.u32 s30, s14  }
0x3d: {  	s15 =	smulhi.u32 $0x218D6287, s11;
	_ =	sdelay $0x1  }
0x3e: {  	s14 =	smulhi.u32 $0x218D6287, s14;
	s15 =	sshrl.u32 s15, $0x11  }
0x3f: {  	s15 =	smul.u32 $0xF4280, s15  }
0x40: {  	s14 =	sshrl.u32 s14, $0x11  }
.Ltmp4:
0x41: {  	s14 =	sand.u32 $0x1F, s14;
	s11 =	ssub.s32 s11, s15;
	(pc) =	sbr.rel .LBB1_5-.Ltmp4, $4  }
0x42: {  	s14 =	smul.u32 $0x1E850, s14;
	s15 =	sshrl.u32 s11, $0x3;
	s11 =	sand.u32 $0x7, s11  }
0x43: {  	s15 =	sadd.s32 s2, s15;
	s11 =	sshll.u32 s11, $0x12  }
0x44: {  	[tilespmem:s13+$0x0 ss:$0x81] =	vst.msk $0xffff, v0;
	s31 =	sadd.s32 s14, s15;
	s11 =	sor.u32 $0x400, s11  }
0x45: {  	[hbm4b:s31+s11] =	stream.strided.scatter [tilespmem:s12], [sflag:$0x2], $0x1000, s8, s11, $0x20;
	[tilespmem:$0x4040] =	vst v63  }
.LBB1_6:
0x46: {  	_ =	sfence.sel $0x180000  }
0x47: {  	s2 =	simm.s32 $0x1;
	[bflag:$0x0] =	sbarrier.arrive $0xFFFF  }
0x48: {  	s31 =	simm.s32 $0x2;
	[sflag:s2] =	ssyncpa.u1 $0x1  }
0x49: {  	[sflag:s31] =	ssyncpa.u1 $0x1  }
0x4a: {  	p0 =	sne.s32 s1, $0x0;
	_ =	strace $0x9000004D  }
0x4b: {  	s0 =	sadd.s32 @!p0 $0x100000, s0;
	[bflag:$0x2] =	sbarrier.arrive $0xFFFF  }
0x4c: {  	[sflag:s0] =	ssyncadd.tile.s32 @!p0 $0x1;
	_ =	shalt  }
.Lfunc_end1:
_tile_overlayer_lowered:
.L_overlay_start_2:
0x4d: {  	(tag) =	ssettag $0x2  }
0x4e: {  	s0 =	rddreg [dreg:$0x0];
	s2 =	stileid.u32  }
0x4f: {  	s1 =	rddreg [dreg:$0x1];
	p0 =	sne.s32 s2, $0x0  }
0x50: {  	s3 =	rddreg [dreg:$0x2];
	[bflag:$0x3] =	sbarrier.arrive $0xFFFF;
	s2 =	simm.s32 @!p0 $0x1C01  }
0x51: {  	[timem:s3], [sflag:s2] =	dma.local @!p0 [hbm:s0], s1  }
0x52: {  	s0 =	simm.s32 @!p0 $0x1  }
0x53: {  	_ =	swait.ge @!p0 [sflag:s0], s1  }
0x54: {  	s1 =	ssub.s32 @!p0 $0x0, s1;
	[sflag:s0] =	ssyncset.done @!p0 $0x0  }
0x55: {  	[sflag:s0] =	ssyncadd.s32 @!p0 s1  }
0x56: {  	[bflag:$0x3] =	sbarrier.arrive $0xFFFF  }
0x57: {  	_ =	shalt  }

</sc_bundles>
